<compile_context>
chip_gen: v7x
topology: tpu7x:2x2x1
jax: 0.10.2.dev20260603
libtpu: 0.0.44.dev20260713+nightly
codegen_flags: <defaults>
</compile_context>

<pallas_src>
import functools

import jax
import jax.numpy as jnp
from jax import lax
from jax.experimental import pallas as pl
from jax.experimental.pallas import tpu as pltpu
from jax.experimental.pallas import tpu_sc as plsc

N_TOKENS = 2048
D_MODEL = 768
N_EXPERTS = 50
P_DIM = 256

TOK_TILE = 512
BR = 64
NBLK = 84
PAD_ROWS = NBLK * BR

_SC_CORES = 2
_SC_SUBCORES = 16
_SC_WORKERS = _SC_CORES * _SC_SUBCORES


def _router_body(x_ref, wr_ref, br_ref, wp_ref, bp_ref,
                 idx_ref, probs_ref, params_ref, inv_ref, be_ref, cumblk_ref,
                 idxcol_ref):
    t = pl.program_id(0)
    xb = x_ref[...]
    logits = jnp.dot(xb, wr_ref[...], preferred_element_type=jnp.float32)
    logits = logits + br_ref[...]
    probs = jax.nn.softmax(logits, axis=-1)
    probs_ref[...] = probs
    m = jnp.max(probs, axis=-1, keepdims=True)
    ii = lax.broadcasted_iota(jnp.int32, probs.shape, 1)
    idx = jnp.min(jnp.where(probs == m, ii, N_EXPERTS), axis=-1)
    idx_ref[0, 0, :] = idx.astype(jnp.int32)
    params_ref[...] = (
        jnp.dot(xb, wp_ref[...], preferred_element_type=jnp.float32)
        + bp_ref[...]
    )
    idxcol_ref[pl.ds(t * TOK_TILE, TOK_TILE), :] = idx.astype(jnp.int32)[:, None]

    @pl.when(t == N_TOKENS // TOK_TILE - 1)
    def _():
        _bookkeep(idxcol_ref, inv_ref, be_ref, cumblk_ref)


def _bookkeep(idx_ref, inv_ref, be_ref, cumblk_ref):
    idxc = idx_ref[...]
    eid = lax.broadcasted_iota(jnp.int32, (N_TOKENS, N_EXPERTS), 1)
    onehot = (idxc == eid).astype(jnp.float32)
    TB = 128
    n_t = N_TOKENS // TB
    tril = (lax.broadcasted_iota(jnp.int32, (TB, TB), 0)
            >= lax.broadcasted_iota(jnp.int32, (TB, TB), 1)
            ).astype(jnp.float32)
    ones_row = jnp.ones((1, TB), jnp.float32)
    tots = jnp.concatenate(
        [jnp.dot(ones_row, onehot[TB * b:TB * (b + 1), :],
                 preferred_element_type=jnp.float32) for b in range(n_t)],
        axis=0)
    stri = (lax.broadcasted_iota(jnp.int32, (n_t, n_t), 0)
            > lax.broadcasted_iota(jnp.int32, (n_t, n_t), 1)
            ).astype(jnp.float32)
    carry = jnp.dot(stri, tots, preferred_element_type=jnp.float32)
    csum = jnp.concatenate(
        [jnp.dot(tril, onehot[TB * b:TB * (b + 1), :],
                 preferred_element_type=jnp.float32) + carry[b:b + 1, :]
         for b in range(n_t)], axis=0).astype(jnp.int32)
    onehot = onehot.astype(jnp.int32)
    rank = jnp.sum(onehot * csum, axis=1) - 1
    counts = csum[N_TOKENS - 1:N_TOKENS, :]
    nblocks = (counts + BR - 1) // BR
    triu = (lax.broadcasted_iota(jnp.int32, (N_EXPERTS, N_EXPERTS), 0)
            <= lax.broadcasted_iota(jnp.int32, (N_EXPERTS, N_EXPERTS), 1)
            ).astype(jnp.float32)
    cumblk = jnp.dot(nblocks.astype(jnp.float32), triu,
                     preferred_element_type=jnp.float32).astype(jnp.int32)
    padded_off = (cumblk - nblocks) * BR
    inv = jnp.sum(onehot * padded_off, axis=1) + rank
    inv_ref[...] = inv[:, None]
    bid = lax.broadcasted_iota(jnp.int32, (NBLK, N_EXPERTS), 0)
    be = jnp.sum((bid >= cumblk).astype(jnp.int32), axis=1)
    be_ref[...] = jnp.minimum(be, N_EXPERTS - 1)[None, :]
    cumblk_ref[...] = cumblk


def _gmm_body(be_ref, nb_ref, x_ref, w_ref, b_ref, o_ref):
    i = pl.program_id(0)

    @pl.when(i < nb_ref[N_EXPERTS - 1])
    def _():
        o_ref[...] = (
            jnp.dot(x_ref[...], w_ref[0], preferred_element_type=jnp.float32)
            + b_ref[0]
        )


def _sc_row_scatter(rows, dst_idx, n_out_rows):
    b, d = rows.shape
    rows_per_w = b // _SC_WORKERS
    mesh = plsc.VectorSubcoreMesh(
        core_axis_name="c", subcore_axis_name="s",
        num_cores=_SC_CORES, num_subcores=_SC_SUBCORES)

    @functools.partial(
        pl.kernel, mesh=mesh,
        out_type=jax.ShapeDtypeStruct((n_out_rows, d), jnp.float32),
        scratch_types=[
            pltpu.VMEM((rows_per_w,), jnp.int32),
            pltpu.VMEM((rows_per_w, d), jnp.float32),
            pltpu.SemaphoreType.DMA,
        ],
    )
    def k(rows_hbm, idx_hbm, out_hbm, idx_v, rows_v, sem):
        wid = lax.axis_index("s") * _SC_CORES + lax.axis_index("c")
        base = wid * rows_per_w
        pltpu.sync_copy(idx_hbm.at[pl.ds(base, rows_per_w)], idx_v)
        pltpu.sync_copy(rows_hbm.at[pl.ds(base, rows_per_w)], rows_v)
        pltpu.async_copy(rows_v, out_hbm.at[idx_v], sem).wait()

    return k(rows, dst_idx)


def _sc_row_gather(table, idx, n_rows, chunk):
    _, d = table.shape
    rows_per_w = n_rows // _SC_WORKERS
    n_chunks = rows_per_w // chunk
    mesh = plsc.VectorSubcoreMesh(
        core_axis_name="c", subcore_axis_name="s",
        num_cores=_SC_CORES, num_subcores=_SC_SUBCORES)

    @functools.partial(
        pl.kernel, mesh=mesh,
        out_type=jax.ShapeDtypeStruct((n_rows, d), jnp.float32),
        scratch_types=[
            pltpu.VMEM((rows_per_w,), jnp.int32),
            pltpu.VMEM((chunk, d), jnp.float32),
            pltpu.SemaphoreType.DMA,
        ],
    )
    def k(table_hbm, idx_hbm, out_hbm, idx_v, rows_v, sem):
        wid = lax.axis_index("s") * _SC_CORES + lax.axis_index("c")
        base = wid * rows_per_w
        pltpu.sync_copy(idx_hbm.at[pl.ds(base, rows_per_w)], idx_v)
        for c in range(n_chunks):
            pltpu.async_copy(
                table_hbm.at[idx_v.at[pl.ds(c * chunk, chunk)]],
                rows_v, sem).wait()
            pltpu.sync_copy(rows_v, out_hbm.at[pl.ds(base + c * chunk, chunk)])

    return k(table, idx)


def kernel(x, W_router, b_router, W_adapt, b_adapt, W_param, b_param):
    n_tiles = N_TOKENS // TOK_TILE
    idx3, tool_probs, params, inv2, be2, cumblk2 = pl.pallas_call(
        _router_body,
        grid=(n_tiles,),
        in_specs=[
            pl.BlockSpec((TOK_TILE, D_MODEL), lambda i: (i, 0)),
            pl.BlockSpec((D_MODEL, N_EXPERTS), lambda i: (0, 0)),
            pl.BlockSpec((1, N_EXPERTS), lambda i: (0, 0)),
            pl.BlockSpec((D_MODEL, P_DIM), lambda i: (0, 0)),
            pl.BlockSpec((1, P_DIM), lambda i: (0, 0)),
        ],
        out_specs=[
            pl.BlockSpec((1, 1, TOK_TILE), lambda i: (i, 0, 0)),
            pl.BlockSpec((TOK_TILE, N_EXPERTS), lambda i: (i, 0)),
            pl.BlockSpec((TOK_TILE, P_DIM), lambda i: (i, 0)),
            pl.BlockSpec((N_TOKENS, 1), lambda i: (0, 0)),
            pl.BlockSpec((1, NBLK), lambda i: (0, 0)),
            pl.BlockSpec((1, N_EXPERTS), lambda i: (0, 0)),
        ],
        out_shape=[
            jax.ShapeDtypeStruct((n_tiles, 1, TOK_TILE), jnp.int32),
            jax.ShapeDtypeStruct((N_TOKENS, N_EXPERTS), jnp.float32),
            jax.ShapeDtypeStruct((N_TOKENS, P_DIM), jnp.float32),
            jax.ShapeDtypeStruct((N_TOKENS, 1), jnp.int32),
            jax.ShapeDtypeStruct((1, NBLK), jnp.int32),
            jax.ShapeDtypeStruct((1, N_EXPERTS), jnp.int32),
        ],
        scratch_shapes=[pltpu.VMEM((N_TOKENS, 1), jnp.int32)],
    )(x, W_router, b_router.reshape(1, N_EXPERTS),
      W_param, b_param.reshape(1, P_DIM))
    tool_idx = idx3.reshape(N_TOKENS)
    inv_pos = inv2.reshape(N_TOKENS)
    block_expert = be2.reshape(NBLK)

    x_sorted = _sc_row_scatter(x, inv_pos, PAD_ROWS)

    y_sorted = pl.pallas_call(
        _gmm_body,
        grid_spec=pltpu.PrefetchScalarGridSpec(
            num_scalar_prefetch=2,
            grid=(NBLK,),
            in_specs=[
                pl.BlockSpec((BR, D_MODEL),
                             lambda i, be, nb: (
                                 jnp.minimum(i, nb[N_EXPERTS - 1] - 1), 0)),
                pl.BlockSpec((1, D_MODEL, D_MODEL),
                             lambda i, be, nb: (be[i], 0, 0)),
                pl.BlockSpec((1, 1, D_MODEL), lambda i, be, nb: (be[i], 0, 0)),
            ],
            out_specs=pl.BlockSpec((BR, D_MODEL), lambda i, be, nb: (i, 0)),
        ),
        out_shape=jax.ShapeDtypeStruct((PAD_ROWS, D_MODEL), jnp.float32),
    )(block_expert, cumblk2.reshape(N_EXPERTS), x_sorted, W_adapt,
      b_adapt.reshape(N_EXPERTS, 1, D_MODEL))

    adapted = _sc_row_gather(y_sorted, inv_pos, N_TOKENS, chunk=64)

    return (tool_idx, tool_probs, adapted, params)

# --- scband reference (transcript-rebuilt; emitter-appended) ---
"""Pipeline reference for scband-universal-tool-integration-13288628814307 (READ-ONLY COPY).

The authoritative reference and input builder live on the scoring server;
editing this copy changes nothing except your own understanding.
"""

import jax, jax.numpy as jnp
import numpy as np

NUM_TOOLS = 50
DIM = 768
N_TOK = 2048
PARAM_DIM = 256


def setup_inputs(seed: int = 0) -> dict:
    key = jax.random.key(seed)
    ks = jax.random.split(key, 6)
    x = jax.random.normal(ks[0], (N_TOK, DIM), dtype=jnp.float32)
    W_router = jax.random.normal(ks[1], (DIM, NUM_TOOLS), dtype=jnp.float32) * 0.02
    b_router = jnp.zeros((NUM_TOOLS,), dtype=jnp.float32)
    W_adapt = jax.random.normal(ks[2], (NUM_TOOLS, DIM, DIM), dtype=jnp.float32) * 0.02
    b_adapt = jnp.zeros((NUM_TOOLS, DIM), dtype=jnp.float32)
    W_param = jax.random.normal(ks[3], (DIM, PARAM_DIM), dtype=jnp.float32) * 0.02
    b_param = jnp.zeros((PARAM_DIM,), dtype=jnp.float32)
    return {
        'x': x,
        'W_router': W_router,
        'b_router': b_router,
        'W_adapt': W_adapt,
        'b_adapt': b_adapt,
        'W_param': W_param,
        'b_param': b_param,
    }


def reference(x, W_router, b_router, W_adapt, b_adapt, W_param, b_param):
    # tool router: Linear(dim, 50)
    tool_logits = x @ W_router + b_router
    tool_probs = jax.nn.softmax(tool_logits, axis=-1)
    tool_idx = jnp.argmax(tool_probs, axis=-1)
    # masked per-expert adapter application (faithful to torch loop over 50 tools)
    adapted = jnp.zeros_like(x)
    for i in range(NUM_TOOLS):
        mask = (tool_idx == i)[:, None]
        y_i = x @ W_adapt[i] + b_adapt[i]
        adapted = jnp.where(mask, y_i, adapted)
    # param generator: Linear(dim, 256)
    params = x @ W_param + b_param
    return (tool_idx, tool_probs, adapted, params)

if __name__ == "__main__":
    import jax
    _d = setup_inputs()
    print(jax.jit(kernel)(*tuple(_d.values())))

</pallas_src>

<mosaic_0001>
#map = affine_map<(d0, d1) -> (0, 0)>
#map1 = affine_map<(d0, d1) -> (0)>
module attributes {stable_mosaic.version = 14 : i64} {
  func.func @k(%arg0: i32, %arg1: i32, %arg2: memref<2048x768xf32, #tpu.memory_space<hbm>>, %arg3: memref<2048xi32, #tpu.memory_space<hbm>>, %arg4: memref<5376x768xf32, #tpu.memory_space<hbm>>, %arg5: memref<64xi32, #tpu.memory_space<vmem>>, %arg6: memref<64x768xf32, #tpu.memory_space<vmem>>, %arg7: memref<!tpu.dma_semaphore, #tpu.memory_space<semaphore_mem>>) attributes {dimension_semantics = [#tpu.dimension_semantics<core_parallel>, #tpu.dimension_semantics<subcore_parallel>], iteration_bounds = array<i64: 2, 16>, scalar_prefetch = 0 : i64, scratch_operands = 3 : i64, tpu.core_type = #tpu.core_type<sc_vector_subcore>, window_params = [{transform_indices = #map}, {transform_indices = #map1}, {transform_indices = #map}]} {
    %mul3A = arith.constant 2 : i32
    %mul3A_0 = arith.muli %arg1, %mul3A : i32
    %add3A = arith.addi %mul3A_0, %arg0 : i32
    %mul3A_1 = arith.constant 64 : i32
    %mul3A_2 = arith.muli %add3A, %mul3A_1 : i32
    "tpu.region"() ({
      %run_scoped3A = tpu.sem_alloc : memref<!tpu.dma_semaphore, #tpu.memory_space<semaphore_mem>>
      %dma_start3A_7 = tpu.memref_slice %arg3[%mul3A_2] : memref<2048xi32, #tpu.memory_space<hbm>> -> memref<64xi32, #tpu.memory_space<hbm>>
      %dma_start3A_8 = tpu.memref_slice %arg3[%mul3A_2] : memref<2048xi32, #tpu.memory_space<hbm>> -> memref<64xi32, #tpu.memory_space<hbm>>
      tpu.enqueue_dma source(%dma_start3A_8 : memref<64xi32, #tpu.memory_space<hbm>>) target(%arg5 : memref<64xi32, #tpu.memory_space<vmem>>) target_semaphore(%run_scoped3A : memref<!tpu.dma_semaphore, #tpu.memory_space<semaphore_mem>>)
      %dma_wait3A_9 = tpu.memref_slice %arg3[%mul3A_2] : memref<2048xi32, #tpu.memory_space<hbm>> -> memref<64xi32, #tpu.memory_space<hbm>>
      %dma_wait3A_10 = tpu.memref_slice %arg3[%mul3A_2] : memref<2048xi32, #tpu.memory_space<hbm>> -> memref<64xi32, #tpu.memory_space<hbm>>
      tpu.wait_dma2 semaphore(%run_scoped3A : memref<!tpu.dma_semaphore, #tpu.memory_space<semaphore_mem>>) src(%dma_wait3A_10 : memref<64xi32, #tpu.memory_space<hbm>>) dst(%arg5 : memref<64xi32, #tpu.memory_space<vmem>>)
      tpu.yield
    }) : () -> ()
    "tpu.region"() ({
      %run_scoped3A = tpu.sem_alloc : memref<!tpu.dma_semaphore, #tpu.memory_space<semaphore_mem>>
      %dma_start3A_7 = arith.constant 0 : i32
      %dma_start3A_8 = tpu.memref_slice %arg2[%mul3A_2, %dma_start3A_7] : memref<2048x768xf32, #tpu.memory_space<hbm>> -> memref<64x768xf32, #tpu.memory_space<hbm>>
      %dma_start3A_9 = arith.constant 0 : i32
      %dma_start3A_10 = tpu.memref_slice %arg2[%mul3A_2, %dma_start3A_9] : memref<2048x768xf32, #tpu.memory_space<hbm>> -> memref<64x768xf32, #tpu.memory_space<hbm>>
      tpu.enqueue_dma source(%dma_start3A_10 : memref<64x768xf32, #tpu.memory_space<hbm>>) target(%arg6 : memref<64x768xf32, #tpu.memory_space<vmem>>) target_semaphore(%run_scoped3A : memref<!tpu.dma_semaphore, #tpu.memory_space<semaphore_mem>>)
      %dma_wait3A_11 = arith.constant 0 : i32
      %dma_wait3A_12 = tpu.memref_slice %arg2[%mul3A_2, %dma_wait3A_11] : memref<2048x768xf32, #tpu.memory_space<hbm>> -> memref<64x768xf32, #tpu.memory_space<hbm>>
      %dma_wait3A_13 = arith.constant 0 : i32
      %dma_wait3A_14 = tpu.memref_slice %arg2[%mul3A_2, %dma_wait3A_13] : memref<2048x768xf32, #tpu.memory_space<hbm>> -> memref<64x768xf32, #tpu.memory_space<hbm>>
      tpu.wait_dma2 semaphore(%run_scoped3A : memref<!tpu.dma_semaphore, #tpu.memory_space<semaphore_mem>>) src(%dma_wait3A_14 : memref<64x768xf32, #tpu.memory_space<hbm>>) dst(%arg6 : memref<64x768xf32, #tpu.memory_space<vmem>>)
      tpu.yield
    }) : () -> ()
    %dma_start3A = arith.constant 0 : i32
    %dma_start3A_3 = arith.constant 0 : i32
    %dma_start3A_4 = tpu.memref_slice %arg4[%dma_start3A, %dma_start3A_3] : memref<5376x768xf32, #tpu.memory_space<hbm>> -> memref<5376x768xf32, #tpu.memory_space<hbm>>
    tpu.enqueue_indirect_dma source(%arg6 : memref<64x768xf32, #tpu.memory_space<vmem>>) target(%dma_start3A_4 : memref<5376x768xf32, #tpu.memory_space<hbm>>) offsets(%arg5 : memref<64xi32, #tpu.memory_space<vmem>>) semaphore(%arg7 : memref<!tpu.dma_semaphore, #tpu.memory_space<semaphore_mem>>)
    %dma_wait3A = arith.constant 0 : i32
    %dma_wait3A_5 = arith.constant 0 : i32
    %dma_wait3A_6 = tpu.memref_slice %arg4[%dma_wait3A, %dma_wait3A_5] : memref<5376x768xf32, #tpu.memory_space<hbm>> -> memref<5376x768xf32, #tpu.memory_space<hbm>>
    tpu.wait_indirect_dma semaphore(%arg7 : memref<!tpu.dma_semaphore, #tpu.memory_space<semaphore_mem>>) src(%arg6 : memref<64x768xf32, #tpu.memory_space<vmem>>) dst(%dma_wait3A_6 : memref<5376x768xf32, #tpu.memory_space<hbm>>)
    return
  }
}

#map = affine_map<(d0, d1) -> (0, 0)>
#map1 = affine_map<(d0, d1) -> (0)>
module attributes {stable_mosaic.version = 14 : i64} {
  func.func @k(%arg0: i32, %arg1: i32, %arg2: memref<5376x768xf32, #tpu.memory_space<hbm>>, %arg3: memref<2048xi32, #tpu.memory_space<hbm>>, %arg4: memref<2048x768xf32, #tpu.memory_space<hbm>>, %arg5: memref<64xi32, #tpu.memory_space<vmem>>, %arg6: memref<64x768xf32, #tpu.memory_space<vmem>>, %arg7: memref<!tpu.dma_semaphore, #tpu.memory_space<semaphore_mem>>) attributes {dimension_semantics = [#tpu.dimension_semantics<core_parallel>, #tpu.dimension_semantics<subcore_parallel>], iteration_bounds = array<i64: 2, 16>, scalar_prefetch = 0 : i64, scratch_operands = 3 : i64, tpu.core_type = #tpu.core_type<sc_vector_subcore>, window_params = [{transform_indices = #map}, {transform_indices = #map1}, {transform_indices = #map}]} {
    %mul3A = arith.constant 2 : i32
    %mul3A_0 = arith.muli %arg1, %mul3A : i32
    %add3A = arith.addi %mul3A_0, %arg0 : i32
    %mul3A_1 = arith.constant 64 : i32
    %mul3A_2 = arith.muli %add3A, %mul3A_1 : i32
    "tpu.region"() ({
      %run_scoped3A = tpu.sem_alloc : memref<!tpu.dma_semaphore, #tpu.memory_space<semaphore_mem>>
      %dma_start3A_13 = tpu.memref_slice %arg3[%mul3A_2] : memref<2048xi32, #tpu.memory_space<hbm>> -> memref<64xi32, #tpu.memory_space<hbm>>
      %dma_start3A_14 = tpu.memref_slice %arg3[%mul3A_2] : memref<2048xi32, #tpu.memory_space<hbm>> -> memref<64xi32, #tpu.memory_space<hbm>>
      tpu.enqueue_dma source(%dma_start3A_14 : memref<64xi32, #tpu.memory_space<hbm>>) target(%arg5 : memref<64xi32, #tpu.memory_space<vmem>>) target_semaphore(%run_scoped3A : memref<!tpu.dma_semaphore, #tpu.memory_space<semaphore_mem>>)
      %dma_wait3A_15 = tpu.memref_slice %arg3[%mul3A_2] : memref<2048xi32, #tpu.memory_space<hbm>> -> memref<64xi32, #tpu.memory_space<hbm>>
      %dma_wait3A_16 = tpu.memref_slice %arg3[%mul3A_2] : memref<2048xi32, #tpu.memory_space<hbm>> -> memref<64xi32, #tpu.memory_space<hbm>>
      tpu.wait_dma2 semaphore(%run_scoped3A : memref<!tpu.dma_semaphore, #tpu.memory_space<semaphore_mem>>) src(%dma_wait3A_16 : memref<64xi32, #tpu.memory_space<hbm>>) dst(%arg5 : memref<64xi32, #tpu.memory_space<vmem>>)
      tpu.yield
    }) : () -> ()
    %dma_start3A = arith.constant 0 : i32
    %dma_start3A_3 = tpu.memref_slice %arg5[%dma_start3A] : memref<64xi32, #tpu.memory_space<vmem>> -> memref<64xi32, #tpu.memory_space<vmem>>
    %dma_start3A_4 = arith.constant 0 : i32
    %dma_start3A_5 = arith.constant 0 : i32
    %dma_start3A_6 = tpu.memref_slice %arg2[%dma_start3A_4, %dma_start3A_5] : memref<5376x768xf32, #tpu.memory_space<hbm>> -> memref<5376x768xf32, #tpu.memory_space<hbm>>
    tpu.enqueue_indirect_dma source(%dma_start3A_6 : memref<5376x768xf32, #tpu.memory_space<hbm>>) target(%arg6 : memref<64x768xf32, #tpu.memory_space<vmem>>) offsets(%dma_start3A_3 : memref<64xi32, #tpu.memory_space<vmem>>) semaphore(%arg7 : memref<!tpu.dma_semaphore, #tpu.memory_space<semaphore_mem>>)
    %dma_wait3A = arith.constant 0 : i32
    %dma_wait3A_7 = tpu.memref_slice %arg5[%dma_wait3A] : memref<64xi32, #tpu.memory_space<vmem>> -> memref<64xi32, #tpu.memory_space<vmem>>
    %dma_wait3A_8 = arith.constant 0 : i32
    %dma_wait3A_9 = arith.constant 0 : i32
    %dma_wait3A_10 = tpu.memref_slice %arg2[%dma_wait3A_8, %dma_wait3A_9] : memref<5376x768xf32, #tpu.memory_space<hbm>> -> memref<5376x768xf32, #tpu.memory_space<hbm>>
    tpu.wait_indirect_dma semaphore(%arg7 : memref<!tpu.dma_semaphore, #tpu.memory_space<semaphore_mem>>) src(%dma_wait3A_10 : memref<5376x768xf32, #tpu.memory_space<hbm>>) dst(%arg6 : memref<64x768xf32, #tpu.memory_space<vmem>>)
    %add3A_11 = arith.constant 0 : i32
    %add3A_12 = arith.addi %mul3A_2, %add3A_11 : i32
    "tpu.region"() ({
      %run_scoped3A = tpu.sem_alloc : memref<!tpu.dma_semaphore, #tpu.memory_space<semaphore_mem>>
      %dma_start3A_13 = arith.constant 0 : i32
      %dma_start3A_14 = tpu.memref_slice %arg4[%add3A_12, %dma_start3A_13] : memref<2048x768xf32, #tpu.memory_space<hbm>> -> memref<64x768xf32, #tpu.memory_space<hbm>>
      %dma_start3A_15 = arith.constant 0 : i32
      %dma_start3A_16 = tpu.memref_slice %arg4[%add3A_12, %dma_start3A_15] : memref<2048x768xf32, #tpu.memory_space<hbm>> -> memref<64x768xf32, #tpu.memory_space<hbm>>
      tpu.enqueue_dma source(%arg6 : memref<64x768xf32, #tpu.memory_space<vmem>>) target(%dma_start3A_16 : memref<64x768xf32, #tpu.memory_space<hbm>>) target_semaphore(%run_scoped3A : memref<!tpu.dma_semaphore, #tpu.memory_space<semaphore_mem>>)
      %dma_wait3A_17 = arith.constant 0 : i32
      %dma_wait3A_18 = tpu.memref_slice %arg4[%add3A_12, %dma_wait3A_17] : memref<2048x768xf32, #tpu.memory_space<hbm>> -> memref<64x768xf32, #tpu.memory_space<hbm>>
      %dma_wait3A_19 = arith.constant 0 : i32
      %dma_wait3A_20 = tpu.memref_slice %arg4[%add3A_12, %dma_wait3A_19] : memref<2048x768xf32, #tpu.memory_space<hbm>> -> memref<64x768xf32, #tpu.memory_space<hbm>>
      tpu.wait_dma2 semaphore(%run_scoped3A : memref<!tpu.dma_semaphore, #tpu.memory_space<semaphore_mem>>) src(%arg6 : memref<64x768xf32, #tpu.memory_space<vmem>>) dst(%dma_wait3A_20 : memref<64x768xf32, #tpu.memory_space<hbm>>)
      tpu.yield
    }) : () -> ()
    return
  }
}

module attributes {stable_mosaic.version = 14 : i64} {
  func.func @_router_body(%arg0: i32, %arg1: memref<512x768xf32, #tpu.memory_space<vmem>>, %arg2: memref<768x50xf32, #tpu.memory_space<vmem>>, %arg3: memref<1x50xf32, #tpu.memory_space<vmem>>, %arg4: memref<768x256xf32, #tpu.memory_space<vmem>>, %arg5: memref<1x256xf32, #tpu.memory_space<vmem>>, %arg6: memref<1x1x512xi32, #tpu.memory_space<vmem>>, %arg7: memref<512x50xf32, #tpu.memory_space<vmem>>, %arg8: memref<512x256xf32, #tpu.memory_space<vmem>>, %arg9: memref<2048x1xi32, #tpu.memory_space<vmem>>, %arg10: memref<1x84xi32, #tpu.memory_space<vmem>>, %arg11: memref<1x50xi32, #tpu.memory_space<vmem>>, %arg12: memref<2048x1xi32, #tpu.memory_space<vmem>>) attributes {dimension_semantics = [#tpu.dimension_semantics<arbitrary>], iteration_bounds = array<i64: 4>, scalar_prefetch = 0 : i64, scratch_operands = 1 : i64, tpu.core_type = #tpu.core_type<tc>, window_params = [{transform_indices = @transform_0, window_bounds = array<i64: 512, 768>}, {pipeline_mode = #tpu.pipeline_mode<synchronous>, transform_indices = @transform_1, window_bounds = array<i64: 768, 50>}, {pipeline_mode = #tpu.pipeline_mode<synchronous>, transform_indices = @transform_2, window_bounds = array<i64: 1, 50>}, {pipeline_mode = #tpu.pipeline_mode<synchronous>, transform_indices = @transform_3, window_bounds = array<i64: 768, 256>}, {pipeline_mode = #tpu.pipeline_mode<synchronous>, transform_indices = @transform_4, window_bounds = array<i64: 1, 256>}, {transform_indices = @transform_5, window_bounds = array<i64: 1, 1, 512>}, {transform_indices = @transform_6, window_bounds = array<i64: 512, 50>}, {transform_indices = @transform_7, window_bounds = array<i64: 512, 256>}, {pipeline_mode = #tpu.pipeline_mode<synchronous>, transform_indices = @transform_8, window_bounds = array<i64: 2048, 1>}, {pipeline_mode = #tpu.pipeline_mode<synchronous>, transform_indices = @transform_9, window_bounds = array<i64: 1, 84>}, {pipeline_mode = #tpu.pipeline_mode<synchronous>, transform_indices = @transform_10, window_bounds = array<i64: 1, 50>}]} {
    %get3A = arith.constant 0 : index
    %get3A_0 = arith.constant 0 : index
    %get3A_1 = vector.load %arg1[%get3A, %get3A_0] : memref<512x768xf32, #tpu.memory_space<vmem>>, vector<512x768xf32>
    %get3A_2 = arith.constant 0 : index
    %get3A_3 = arith.constant 0 : index
    %get3A_4 = vector.load %arg2[%get3A_2, %get3A_3] : memref<768x50xf32, #tpu.memory_space<vmem>>, vector<768x50xf32>
    %dot_general3A = arith.constant dense<0.000000e+00> : vector<512x50xf32>
    %dot_general3A_5 = tpu.matmul %get3A_1, %get3A_4, %dot_general3A {dimension_numbers = #tpu.dot_dimension_numbers<[1], [0], [0], [1], [0, 0, 1, 1], [], []>, transpose_lhs_hint = false} : vector<512x768xf32>, vector<768x50xf32>, vector<512x50xf32> -> vector<512x50xf32>
    %get3A_6 = arith.constant 0 : index
    %get3A_7 = arith.constant 0 : index
    %get3A_8 = vector.load %arg3[%get3A_6, %get3A_7] : memref<1x50xf32, #tpu.memory_space<vmem>>, vector<1x50xf32>
    %add3A = vector.broadcast %get3A_8 : vector<1x50xf32> to vector<512x50xf32>
    %add3A_9 = arith.addf %dot_general3A_5, %add3A : vector<512x50xf32>
    %reduce_max3A = arith.constant dense<0xFF800000> : vector<512xf32>
    %reduce_max3A_10 = vector.multi_reduction <maximumf>, %add3A_9, %reduce_max3A [1] : vector<512x50xf32> to vector<512xf32>
    %max3A = arith.constant 0xFF800000 : f32
    %max3A_11 = vector.broadcast %max3A : f32 to vector<512xf32>
    %max3A_12 = arith.maximumf %max3A_11, %reduce_max3A_10 : vector<512xf32>
    %broadcast_in_dim3A = vector.shape_cast %max3A_12 : vector<512xf32> to vector<512x1xf32>
    %sub3A = vector.broadcast %broadcast_in_dim3A : vector<512x1xf32> to vector<512x50xf32>
    %sub3A_13 = arith.subf %add3A_9, %sub3A : vector<512x50xf32>
    %exp3A = math.exp %sub3A_13 : vector<512x50xf32>
    %reduce_sum3A = arith.constant dense<0.000000e+00> : vector<512xf32>
    %reduce_sum3A_14 = vector.multi_reduction <add>, %exp3A, %reduce_sum3A [1] : vector<512x50xf32> to vector<512xf32>
    %broadcast_in_dim3A_15 = vector.shape_cast %reduce_sum3A_14 : vector<512xf32> to vector<512x1xf32>
    %div3A = vector.broadcast %broadcast_in_dim3A_15 : vector<512x1xf32> to vector<512x50xf32>
    %div3A_16 = arith.divf %exp3A, %div3A : vector<512x50xf32>
    %swap3A = arith.constant 0 : index
    %swap3A_17 = arith.constant 0 : index
    %swap3A_18 = vector.load %arg7[%swap3A, %swap3A_17] : memref<512x50xf32, #tpu.memory_space<vmem>>, vector<512x50xf32>
    tpu.vector_store %arg7[%swap3A, %swap3A_17], %div3A_16 {strides = array<i32>} : memref<512x50xf32, #tpu.memory_space<vmem>>, vector<512x50xf32>,
    %reduce_max3A_19 = arith.constant dense<0xFF800000> : vector<512xf32>
    %reduce_max3A_20 = vector.multi_reduction <maximumf>, %div3A_16, %reduce_max3A_19 [1] : vector<512x50xf32> to vector<512xf32>
    %broadcast_in_dim3A_21 = vector.shape_cast %reduce_max3A_20 : vector<512xf32> to vector<512x1xf32>
    %iota3A = tpu.iota {dimensions = array<i32: 1>} : vector<512x50xi32>
    %eq3A = vector.broadcast %broadcast_in_dim3A_21 : vector<512x1xf32> to vector<512x50xf32>
    %eq3A_22 = arith.cmpf oeq, %div3A_16, %eq3A : vector<512x50xf32>
    %jit3A = arith.constant 50 : i32
    %broadcast_in_dim3A_23 = vector.broadcast %jit3A : i32 to vector<512x50xi32>
    %select_n3A = arith.select %eq3A_22, %iota3A, %broadcast_in_dim3A_23 : vector<512x50xi1>, vector<512x50xi32>
    %reduce_min3A = arith.constant dense<2147483647> : vector<512xi32>
    %reduce_min3A_24 = vector.multi_reduction <minsi>, %select_n3A, %reduce_min3A [1] : vector<512x50xi32> to vector<512xi32>
    %swap3A_25 = arith.constant 0 : index
    %swap3A_26 = arith.constant 0 : index
    %swap3A_27 = arith.constant 0 : index
    %swap3A_28 = vector.load %arg6[%swap3A_25, %swap3A_26, %swap3A_27] : memref<1x1x512xi32, #tpu.memory_space<vmem>>, vector<1x1x512xi32>
    %swap3A_29 = vector.shape_cast %swap3A_28 : vector<1x1x512xi32> to vector<512xi32>
    %swap3A_30 = vector.shape_cast %reduce_min3A_24 : vector<512xi32> to vector<1x1x512xi32>
    tpu.vector_store %arg6[%swap3A_25, %swap3A_26, %swap3A_27], %swap3A_30 {strides = array<i32>} : memref<1x1x512xi32, #tpu.memory_space<vmem>>, vector<1x1x512xi32>,
    %get3A_31 = arith.constant 0 : index
    %get3A_32 = arith.constant 0 : index
    %get3A_33 = vector.load %arg4[%get3A_31, %get3A_32] : memref<768x256xf32, #tpu.memory_space<vmem>>, vector<768x256xf32>
    %dot_general3A_34 = arith.constant dense<0.000000e+00> : vector<512x256xf32>
    %dot_general3A_35 = tpu.matmul %get3A_1, %get3A_33, %dot_general3A_34 {dimension_numbers = #tpu.dot_dimension_numbers<[1], [0], [0], [1], [0, 0, 1, 1], [], []>, transpose_lhs_hint = false} : vector<512x768xf32>, vector<768x256xf32>, vector<512x256xf32> -> vector<512x256xf32>
    %get3A_36 = arith.constant 0 : index
    %get3A_37 = arith.constant 0 : index
    %get3A_38 = vector.load %arg5[%get3A_36, %get3A_37] : memref<1x256xf32, #tpu.memory_space<vmem>>, vector<1x256xf32>
    %add3A_39 = vector.broadcast %get3A_38 : vector<1x256xf32> to vector<512x256xf32>
    %add3A_40 = arith.addf %dot_general3A_35, %add3A_39 : vector<512x256xf32>
    %swap3A_41 = arith.constant 0 : index
    %swap3A_42 = arith.constant 0 : index
    %swap3A_43 = vector.load %arg8[%swap3A_41, %swap3A_42] : memref<512x256xf32, #tpu.memory_space<vmem>>, vector<512x256xf32>
    tpu.vector_store %arg8[%swap3A_41, %swap3A_42], %add3A_40 {strides = array<i32>} : memref<512x256xf32, #tpu.memory_space<vmem>>, vector<512x256xf32>,
    %broadcast_in_dim3A_44 = vector.shape_cast %reduce_min3A_24 : vector<512xi32> to vector<512x1xi32>
    %mul3A = arith.constant 512 : i32
    %mul3A_45 = arith.muli %arg0, %mul3A : i32
    %swap3A_46 = arith.index_cast %mul3A_45 : i32 to index
    %swap3A_47 = arith.constant 0 : index
    %swap3A_48 = vector.load %arg12[%swap3A_46, %swap3A_47] : memref<2048x1xi32, #tpu.memory_space<vmem>>, vector<512x1xi32>
    tpu.vector_store %arg12[%swap3A_46, %swap3A_47], %broadcast_in_dim3A_44 {strides = array<i32>} : memref<2048x1xi32, #tpu.memory_space<vmem>>, vector<512x1xi32>,
    %eq3A_49 = arith.constant 3 : i32
    %eq3A_50 = arith.cmpi eq, %arg0, %eq3A_49 : i32
    %convert_element_type3A = arith.extui %eq3A_50 : i1 to i32
    %cond3A = arith.constant 0 : i32
    %cond3A_51 = arith.cmpi ne, %convert_element_type3A, %cond3A : i32
    scf.if %cond3A_51 {
      %get3A_52 = arith.constant 0 : index
      %get3A_53 = arith.constant 0 : index
      %get3A_54 = vector.load %arg12[%get3A_52, %get3A_53] : memref<2048x1xi32, #tpu.memory_space<vmem>>, vector<2048x1xi32>
      %iota3A_55 = tpu.iota {dimensions = array<i32: 1>} : vector<2048x50xi32>
      %eq3A_56 = vector.broadcast %get3A_54 : vector<2048x1xi32> to vector<2048x50xi32>
      %eq3A_57 = arith.cmpi eq, %eq3A_56, %iota3A_55 : vector<2048x50xi32>
      %convert_element_type3A_58 = arith.extui %eq3A_57 : vector<2048x50xi1> to vector<2048x50xi32>
      %convert_element_type3A_59 = arith.sitofp %convert_element_type3A_58 : vector<2048x50xi32> to vector<2048x50xf32>
      %iota3A_60 = tpu.iota {dimensions = array<i32: 0>} : vector<128x128xi32>
      %iota3A_61 = tpu.iota {dimensions = array<i32: 1>} : vector<128x128xi32>
      %ge3A = arith.cmpi sge, %iota3A_60, %iota3A_61 : vector<128x128xi32>
      %convert_element_type3A_62 = arith.extui %ge3A : vector<128x128xi1> to vector<128x128xi32>
      %convert_element_type3A_63 = arith.sitofp %convert_element_type3A_62 : vector<128x128xi32> to vector<128x128xf32>
      %broadcast_in_dim3A_64 = arith.constant 1.000000e+00 : f32
      %broadcast_in_dim3A_65 = vector.broadcast %broadcast_in_dim3A_64 : f32 to vector<1x128xf32>
      %slice3A = vector.extract_strided_slice %convert_element_type3A_59 {offsets = [0, 0], sizes = [128, 50], strides = [1, 1]} : vector<2048x50xf32> to vector<128x50xf32>
      %dot_general3A_66 = arith.constant dense<0.000000e+00> : vector<1x50xf32>
      %dot_general3A_67 = tpu.matmul %broadcast_in_dim3A_65, %slice3A, %dot_general3A_66 {dimension_numbers = #tpu.dot_dimension_numbers<[1], [0], [0], [1], [0, 0, 1, 1], [], []>, transpose_lhs_hint = false} : vector<1x128xf32>, vector<128x50xf32>, vector<1x50xf32> -> vector<1x50xf32>
      %slice3A_68 = vector.extract_strided_slice %convert_element_type3A_59 {offsets = [128, 0], sizes = [128, 50], strides = [1, 1]} : vector<2048x50xf32> to vector<128x50xf32>
      %dot_general3A_69 = arith.constant dense<0.000000e+00> : vector<1x50xf32>
      %dot_general3A_70 = tpu.matmul %broadcast_in_dim3A_65, %slice3A_68, %dot_general3A_69 {dimension_numbers = #tpu.dot_dimension_numbers<[1], [0], [0], [1], [0, 0, 1, 1], [], []>, transpose_lhs_hint = false} : vector<1x128xf32>, vector<128x50xf32>, vector<1x50xf32> -> vector<1x50xf32>
      %slice3A_71 = vector.extract_strided_slice %convert_element_type3A_59 {offsets = [256, 0], sizes = [128, 50], strides = [1, 1]} : vector<2048x50xf32> to vector<128x50xf32>
      %dot_general3A_72 = arith.constant dense<0.000000e+00> : vector<1x50xf32>
      %dot_general3A_73 = tpu.matmul %broadcast_in_dim3A_65, %slice3A_71, %dot_general3A_72 {dimension_numbers = #tpu.dot_dimension_numbers<[1], [0], [0], [1], [0, 0, 1, 1], [], []>, transpose_lhs_hint = false} : vector<1x128xf32>, vector<128x50xf32>, vector<1x50xf32> -> vector<1x50xf32>
      %slice3A_74 = vector.extract_strided_slice %convert_element_type3A_59 {offsets = [384, 0], sizes = [128, 50], strides = [1, 1]} : vector<2048x50xf32> to vector<128x50xf32>
      %dot_general3A_75 = arith.constant dense<0.000000e+00> : vector<1x50xf32>
      %dot_general3A_76 = tpu.matmul %broadcast_in_dim3A_65, %slice3A_74, %dot_general3A_75 {dimension_numbers = #tpu.dot_dimension_numbers<[1], [0], [0], [1], [0, 0, 1, 1], [], []>, transpose_lhs_hint = false} : vector<1x128xf32>, vector<128x50xf32>, vector<1x50xf32> -> vector<1x50xf32>
      %slice3A_77 = vector.extract_strided_slice %convert_element_type3A_59 {offsets = [512, 0], sizes = [128, 50], strides = [1, 1]} : vector<2048x50xf32> to vector<128x50xf32>
      %dot_general3A_78 = arith.constant dense<0.000000e+00> : vector<1x50xf32>
      %dot_general3A_79 = tpu.matmul %broadcast_in_dim3A_65, %slice3A_77, %dot_general3A_78 {dimension_numbers = #tpu.dot_dimension_numbers<[1], [0], [0], [1], [0, 0, 1, 1], [], []>, transpose_lhs_hint = false} : vector<1x128xf32>, vector<128x50xf32>, vector<1x50xf32> -> vector<1x50xf32>
      %slice3A_80 = vector.extract_strided_slice %convert_element_type3A_59 {offsets = [640, 0], sizes = [128, 50], strides = [1, 1]} : vector<2048x50xf32> to vector<128x50xf32>
      %dot_general3A_81 = arith.constant dense<0.000000e+00> : vector<1x50xf32>
      %dot_general3A_82 = tpu.matmul %broadcast_in_dim3A_65, %slice3A_80, %dot_general3A_81 {dimension_numbers = #tpu.dot_dimension_numbers<[1], [0], [0], [1], [0, 0, 1, 1], [], []>, transpose_lhs_hint = false} : vector<1x128xf32>, vector<128x50xf32>, vector<1x50xf32> -> vector<1x50xf32>
      %slice3A_83 = vector.extract_strided_slice %convert_element_type3A_59 {offsets = [768, 0], sizes = [128, 50], strides = [1, 1]} : vector<2048x50xf32> to vector<128x50xf32>
      %dot_general3A_84 = arith.constant dense<0.000000e+00> : vector<1x50xf32>
      %dot_general3A_85 = tpu.matmul %broadcast_in_dim3A_65, %slice3A_83, %dot_general3A_84 {dimension_numbers = #tpu.dot_dimension_numbers<[1], [0], [0], [1], [0, 0, 1, 1], [], []>, transpose_lhs_hint = false} : vector<1x128xf32>, vector<128x50xf32>, vector<1x50xf32> -> vector<1x50xf32>
      %slice3A_86 = vector.extract_strided_slice %convert_element_type3A_59 {offsets = [896, 0], sizes = [128, 50], strides = [1, 1]} : vector<2048x50xf32> to vector<128x50xf32>
      %dot_general3A_87 = arith.constant dense<0.000000e+00> : vector<1x50xf32>
      %dot_general3A_88 = tpu.matmul %broadcast_in_dim3A_65, %slice3A_86, %dot_general3A_87 {dimension_numbers = #tpu.dot_dimension_numbers<[1], [0], [0], [1], [0, 0, 1, 1], [], []>, transpose_lhs_hint = false} : vector<1x128xf32>, vector<128x50xf32>, vector<1x50xf32> -> vector<1x50xf32>
      %slice3A_89 = vector.extract_strided_slice %convert_element_type3A_59 {offsets = [1024, 0], sizes = [128, 50], strides = [1, 1]} : vector<2048x50xf32> to vector<128x50xf32>
      %dot_general3A_90 = arith.constant dense<0.000000e+00> : vector<1x50xf32>
      %dot_general3A_91 = tpu.matmul %broadcast_in_dim3A_65, %slice3A_89, %dot_general3A_90 {dimension_numbers = #tpu.dot_dimension_numbers<[1], [0], [0], [1], [0, 0, 1, 1], [], []>, transpose_lhs_hint = false} : vector<1x128xf32>, vector<128x50xf32>, vector<1x50xf32> -> vector<1x50xf32>
      %slice3A_92 = vector.extract_strided_slice %convert_element_type3A_59 {offsets = [1152, 0], sizes = [128, 50], strides = [1, 1]} : vector<2048x50xf32> to vector<128x50xf32>
      %dot_general3A_93 = arith.constant dense<0.000000e+00> : vector<1x50xf32>
      %dot_general3A_94 = tpu.matmul %broadcast_in_dim3A_65, %slice3A_92, %dot_general3A_93 {dimension_numbers = #tpu.dot_dimension_numbers<[1], [0], [0], [1], [0, 0, 1, 1], [], []>, transpose_lhs_hint = false} : vector<1x128xf32>, vector<128x50xf32>, vector<1x50xf32> -> vector<1x50xf32>
      %slice3A_95 = vector.extract_strided_slice %convert_element_type3A_59 {offsets = [1280, 0], sizes = [128, 50], strides = [1, 1]} : vector<2048x50xf32> to vector<128x50xf32>
      %dot_general3A_96 = arith.constant dense<0.000000e+00> : vector<1x50xf32>
      %dot_general3A_97 = tpu.matmul %broadcast_in_dim3A_65, %slice3A_95, %dot_general3A_96 {dimension_numbers = #tpu.dot_dimension_numbers<[1], [0], [0], [1], [0, 0, 1, 1], [], []>, transpose_lhs_hint = false} : vector<1x128xf32>, vector<128x50xf32>, vector<1x50xf32> -> vector<1x50xf32>
      %slice3A_98 = vector.extract_strided_slice %convert_element_type3A_59 {offsets = [1408, 0], sizes = [128, 50], strides = [1, 1]} : vector<2048x50xf32> to vector<128x50xf32>
      %dot_general3A_99 = arith.constant dense<0.000000e+00> : vector<1x50xf32>
      %dot_general3A_100 = tpu.matmul %broadcast_in_dim3A_65, %slice3A_98, %dot_general3A_99 {dimension_numbers = #tpu.dot_dimension_numbers<[1], [0], [0], [1], [0, 0, 1, 1], [], []>, transpose_lhs_hint = false} : vector<1x128xf32>, vector<128x50xf32>, vector<1x50xf32> -> vector<1x50xf32>
      %slice3A_101 = vector.extract_strided_slice %convert_element_type3A_59 {offsets = [1536, 0], sizes = [128, 50], strides = [1, 1]} : vector<2048x50xf32> to vector<128x50xf32>
      %dot_general3A_102 = arith.constant dense<0.000000e+00> : vector<1x50xf32>
      %dot_general3A_103 = tpu.matmul %broadcast_in_dim3A_65, %slice3A_101, %dot_general3A_102 {dimension_numbers = #tpu.dot_dimension_numbers<[1], [0], [0], [1], [0, 0, 1, 1], [], []>, transpose_lhs_hint = false} : vector<1x128xf32>, vector<128x50xf32>, vector<1x50xf32> -> vector<1x50xf32>
      %slice3A_104 = vector.extract_strided_slice %convert_element_type3A_59 {offsets = [1664, 0], sizes = [128, 50], strides = [1, 1]} : vector<2048x50xf32> to vector<128x50xf32>
      %dot_general3A_105 = arith.constant dense<0.000000e+00> : vector<1x50xf32>
      %dot_general3A_106 = tpu.matmul %broadcast_in_dim3A_65, %slice3A_104, %dot_general3A_105 {dimension_numbers = #tpu.dot_dimension_numbers<[1], [0], [0], [1], [0, 0, 1, 1], [], []>, transpose_lhs_hint = false} : vector<1x128xf32>, vector<128x50xf32>, vector<1x50xf32> -> vector<1x50xf32>
      %slice3A_107 = vector.extract_strided_slice %convert_element_type3A_59 {offsets = [1792, 0], sizes = [128, 50], strides = [1, 1]} : vector<2048x50xf32> to vector<128x50xf32>
      %dot_general3A_108 = arith.constant dense<0.000000e+00> : vector<1x50xf32>
      %dot_general3A_109 = tpu.matmul %broadcast_in_dim3A_65, %slice3A_107, %dot_general3A_108 {dimension_numbers = #tpu.dot_dimension_numbers<[1], [0], [0], [1], [0, 0, 1, 1], [], []>, transpose_lhs_hint = false} : vector<1x128xf32>, vector<128x50xf32>, vector<1x50xf32> -> vector<1x50xf32>
      %slice3A_110 = vector.extract_strided_slice %convert_element_type3A_59 {offsets = [1920, 0], sizes = [128, 50], strides = [1, 1]} : vector<2048x50xf32> to vector<128x50xf32>
      %dot_general3A_111 = arith.constant dense<0.000000e+00> : vector<1x50xf32>
      %dot_general3A_112 = tpu.matmul %broadcast_in_dim3A_65, %slice3A_110, %dot_general3A_111 {dimension_numbers = #tpu.dot_dimension_numbers<[1], [0], [0], [1], [0, 0, 1, 1], [], []>, transpose_lhs_hint = false} : vector<1x128xf32>, vector<128x50xf32>, vector<1x50xf32> -> vector<1x50xf32>
      %concatenate3A = tpu.concatenate %dot_general3A_67, %dot_general3A_70, %dot_general3A_73, %dot_general3A_76, %dot_general3A_79, %dot_general3A_82, %dot_general3A_85, %dot_general3A_88, %dot_general3A_91, %dot_general3A_94, %dot_general3A_97, %dot_general3A_100, %dot_general3A_103, %dot_general3A_106, %dot_general3A_109, %dot_general3A_112 in 0 : vector<1x50xf32>, vector<1x50xf32>, vector<1x50xf32>, vector<1x50xf32>, vector<1x50xf32>, vector<1x50xf32>, vector<1x50xf32>, vector<1x50xf32>, vector<1x50xf32>, vector<1x50xf32>, vector<1x50xf32>, vector<1x50xf32>, vector<1x50xf32>, vector<1x50xf32>, vector<1x50xf32>, vector<1x50xf32> -> vector<16x50xf32>
      %iota3A_113 = tpu.iota {dimensions = array<i32: 0>} : vector<16x16xi32>
      %iota3A_114 = tpu.iota {dimensions = array<i32: 1>} : vector<16x16xi32>
      %gt3A = arith.cmpi sgt, %iota3A_113, %iota3A_114 : vector<16x16xi32>
      %convert_element_type3A_115 = arith.extui %gt3A : vector<16x16xi1> to vector<16x16xi32>
      %convert_element_type3A_116 = arith.sitofp %convert_element_type3A_115 : vector<16x16xi32> to vector<16x16xf32>
      %dot_general3A_117 = arith.constant dense<0.000000e+00> : vector<16x50xf32>
      %dot_general3A_118 = tpu.matmul %convert_element_type3A_116, %concatenate3A, %dot_general3A_117 {dimension_numbers = #tpu.dot_dimension_numbers<[1], [0], [0], [1], [0, 0, 1, 1], [], []>, transpose_lhs_hint = false} : vector<16x16xf32>, vector<16x50xf32>, vector<16x50xf32> -> vector<16x50xf32>
      %slice3A_119 = vector.extract_strided_slice %convert_element_type3A_59 {offsets = [0, 0], sizes = [128, 50], strides = [1, 1]} : vector<2048x50xf32> to vector<128x50xf32>
      %dot_general3A_120 = arith.constant dense<0.000000e+00> : vector<128x50xf32>
      %dot_general3A_121 = tpu.matmul %convert_element_type3A_63, %slice3A_119, %dot_general3A_120 {dimension_numbers = #tpu.dot_dimension_numbers<[1], [0], [0], [1], [0, 0, 1, 1], [], []>, transpose_lhs_hint = false} : vector<128x128xf32>, vector<128x50xf32>, vector<128x50xf32> -> vector<128x50xf32>
      %slice3A_122 = vector.extract_strided_slice %dot_general3A_118 {offsets = [0, 0], sizes = [1, 50], strides = [1, 1]} : vector<16x50xf32> to vector<1x50xf32>
      %add3A_123 = vector.broadcast %slice3A_122 : vector<1x50xf32> to vector<128x50xf32>
      %add3A_124 = arith.addf %dot_general3A_121, %add3A_123 : vector<128x50xf32>
      %slice3A_125 = vector.extract_strided_slice %convert_element_type3A_59 {offsets = [128, 0], sizes = [128, 50], strides = [1, 1]} : vector<2048x50xf32> to vector<128x50xf32>
      %dot_general3A_126 = arith.constant dense<0.000000e+00> : vector<128x50xf32>
      %dot_general3A_127 = tpu.matmul %convert_element_type3A_63, %slice3A_125, %dot_general3A_126 {dimension_numbers = #tpu.dot_dimension_numbers<[1], [0], [0], [1], [0, 0, 1, 1], [], []>, transpose_lhs_hint = false} : vector<128x128xf32>, vector<128x50xf32>, vector<128x50xf32> -> vector<128x50xf32>
      %slice3A_128 = vector.extract_strided_slice %dot_general3A_118 {offsets = [1, 0], sizes = [1, 50], strides = [1, 1]} : vector<16x50xf32> to vector<1x50xf32>
      %add3A_129 = vector.broadcast %slice3A_128 : vector<1x50xf32> to vector<128x50xf32>
      %add3A_130 = arith.addf %dot_general3A_127, %add3A_129 : vector<128x50xf32>
      %slice3A_131 = vector.extract_strided_slice %convert_element_type3A_59 {offsets = [256, 0], sizes = [128, 50], strides = [1, 1]} : vector<2048x50xf32> to vector<128x50xf32>
      %dot_general3A_132 = arith.constant dense<0.000000e+00> : vector<128x50xf32>
      %dot_general3A_133 = tpu.matmul %convert_element_type3A_63, %slice3A_131, %dot_general3A_132 {dimension_numbers = #tpu.dot_dimension_numbers<[1], [0], [0], [1], [0, 0, 1, 1], [], []>, transpose_lhs_hint = false} : vector<128x128xf32>, vector<128x50xf32>, vector<128x50xf32> -> vector<128x50xf32>
      %slice3A_134 = vector.extract_strided_slice %dot_general3A_118 {offsets = [2, 0], sizes = [1, 50], strides = [1, 1]} : vector<16x50xf32> to vector<1x50xf32>
      %add3A_135 = vector.broadcast %slice3A_134 : vector<1x50xf32> to vector<128x50xf32>
      %add3A_136 = arith.addf %dot_general3A_133, %add3A_135 : vector<128x50xf32>
      %slice3A_137 = vector.extract_strided_slice %convert_element_type3A_59 {offsets = [384, 0], sizes = [128, 50], strides = [1, 1]} : vector<2048x50xf32> to vector<128x50xf32>
      %dot_general3A_138 = arith.constant dense<0.000000e+00> : vector<128x50xf32>
      %dot_general3A_139 = tpu.matmul %convert_element_type3A_63, %slice3A_137, %dot_general3A_138 {dimension_numbers = #tpu.dot_dimension_numbers<[1], [0], [0], [1], [0, 0, 1, 1], [], []>, transpose_lhs_hint = false} : vector<128x128xf32>, vector<128x50xf32>, vector<128x50xf32> -> vector<128x50xf32>
      %slice3A_140 = vector.extract_strided_slice %dot_general3A_118 {offsets = [3, 0], sizes = [1, 50], strides = [1, 1]} : vector<16x50xf32> to vector<1x50xf32>
      %add3A_141 = vector.broadcast %slice3A_140 : vector<1x50xf32> to vector<128x50xf32>
      %add3A_142 = arith.addf %dot_general3A_139, %add3A_141 : vector<128x50xf32>
      %slice3A_143 = vector.extract_strided_slice %convert_element_type3A_59 {offsets = [512, 0], sizes = [128, 50], strides = [1, 1]} : vector<2048x50xf32> to vector<128x50xf32>
      %dot_general3A_144 = arith.constant dense<0.000000e+00> : vector<128x50xf32>
      %dot_general3A_145 = tpu.matmul %convert_element_type3A_63, %slice3A_143, %dot_general3A_144 {dimension_numbers = #tpu.dot_dimension_numbers<[1], [0], [0], [1], [0, 0, 1, 1], [], []>, transpose_lhs_hint = false} : vector<128x128xf32>, vector<128x50xf32>, vector<128x50xf32> -> vector<128x50xf32>
      %slice3A_146 = vector.extract_strided_slice %dot_general3A_118 {offsets = [4, 0], sizes = [1, 50], strides = [1, 1]} : vector<16x50xf32> to vector<1x50xf32>
      %add3A_147 = vector.broadcast %slice3A_146 : vector<1x50xf32> to vector<128x50xf32>
      %add3A_148 = arith.addf %dot_general3A_145, %add3A_147 : vector<128x50xf32>
      %slice3A_149 = vector.extract_strided_slice %convert_element_type3A_59 {offsets = [640, 0], sizes = [128, 50], strides = [1, 1]} : vector<2048x50xf32> to vector<128x50xf32>
      %dot_general3A_150 = arith.constant dense<0.000000e+00> : vector<128x50xf32>
      %dot_general3A_151 = tpu.matmul %convert_element_type3A_63, %slice3A_149, %dot_general3A_150 {dimension_numbers = #tpu.dot_dimension_numbers<[1], [0], [0], [1], [0, 0, 1, 1], [], []>, transpose_lhs_hint = false} : vector<128x128xf32>, vector<128x50xf32>, vector<128x50xf32> -> vector<128x50xf32>
      %slice3A_152 = vector.extract_strided_slice %dot_general3A_118 {offsets = [5, 0], sizes = [1, 50], strides = [1, 1]} : vector<16x50xf32> to vector<1x50xf32>
      %add3A_153 = vector.broadcast %slice3A_152 : vector<1x50xf32> to vector<128x50xf32>
      %add3A_154 = arith.addf %dot_general3A_151, %add3A_153 : vector<128x50xf32>
      %slice3A_155 = vector.extract_strided_slice %convert_element_type3A_59 {offsets = [768, 0], sizes = [128, 50], strides = [1, 1]} : vector<2048x50xf32> to vector<128x50xf32>
      %dot_general3A_156 = arith.constant dense<0.000000e+00> : vector<128x50xf32>
      %dot_general3A_157 = tpu.matmul %convert_element_type3A_63, %slice3A_155, %dot_general3A_156 {dimension_numbers = #tpu.dot_dimension_numbers<[1], [0], [0], [1], [0, 0, 1, 1], [], []>, transpose_lhs_hint = false} : vector<128x128xf32>, vector<128x50xf32>, vector<128x50xf32> -> vector<128x50xf32>
      %slice3A_158 = vector.extract_strided_slice %dot_general3A_118 {offsets = [6, 0], sizes = [1, 50], strides = [1, 1]} : vector<16x50xf32> to vector<1x50xf32>
      %add3A_159 = vector.broadcast %slice3A_158 : vector<1x50xf32> to vector<128x50xf32>
      %add3A_160 = arith.addf %dot_general3A_157, %add3A_159 : vector<128x50xf32>
      %slice3A_161 = vector.extract_strided_slice %convert_element_type3A_59 {offsets = [896, 0], sizes = [128, 50], strides = [1, 1]} : vector<2048x50xf32> to vector<128x50xf32>
      %dot_general3A_162 = arith.constant dense<0.000000e+00> : vector<128x50xf32>
      %dot_general3A_163 = tpu.matmul %convert_element_type3A_63, %slice3A_161, %dot_general3A_162 {dimension_numbers = #tpu.dot_dimension_numbers<[1], [0], [0], [1], [0, 0, 1, 1], [], []>, transpose_lhs_hint = false} : vector<128x128xf32>, vector<128x50xf32>, vector<128x50xf32> -> vector<128x50xf32>
      %slice3A_164 = vector.extract_strided_slice %dot_general3A_118 {offsets = [7, 0], sizes = [1, 50], strides = [1, 1]} : vector<16x50xf32> to vector<1x50xf32>
      %add3A_165 = vector.broadcast %slice3A_164 : vector<1x50xf32> to vector<128x50xf32>
      %add3A_166 = arith.addf %dot_general3A_163, %add3A_165 : vector<128x50xf32>
      %slice3A_167 = vector.extract_strided_slice %convert_element_type3A_59 {offsets = [1024, 0], sizes = [128, 50], strides = [1, 1]} : vector<2048x50xf32> to vector<128x50xf32>
      %dot_general3A_168 = arith.constant dense<0.000000e+00> : vector<128x50xf32>
      %dot_general3A_169 = tpu.matmul %convert_element_type3A_63, %slice3A_167, %dot_general3A_168 {dimension_numbers = #tpu.dot_dimension_numbers<[1], [0], [0], [1], [0, 0, 1, 1], [], []>, transpose_lhs_hint = false} : vector<128x128xf32>, vector<128x50xf32>, vector<128x50xf32> -> vector<128x50xf32>
      %slice3A_170 = vector.extract_strided_slice %dot_general3A_118 {offsets = [8, 0], sizes = [1, 50], strides = [1, 1]} : vector<16x50xf32> to vector<1x50xf32>
      %add3A_171 = vector.broadcast %slice3A_170 : vector<1x50xf32> to vector<128x50xf32>
      %add3A_172 = arith.addf %dot_general3A_169, %add3A_171 : vector<128x50xf32>
      %slice3A_173 = vector.extract_strided_slice %convert_element_type3A_59 {offsets = [1152, 0], sizes = [128, 50], strides = [1, 1]} : vector<2048x50xf32> to vector<128x50xf32>
      %dot_general3A_174 = arith.constant dense<0.000000e+00> : vector<128x50xf32>
      %dot_general3A_175 = tpu.matmul %convert_element_type3A_63, %slice3A_173, %dot_general3A_174 {dimension_numbers = #tpu.dot_dimension_numbers<[1], [0], [0], [1], [0, 0, 1, 1], [], []>, transpose_lhs_hint = false} : vector<128x128xf32>, vector<128x50xf32>, vector<128x50xf32> -> vector<128x50xf32>
      %slice3A_176 = vector.extract_strided_slice %dot_general3A_118 {offsets = [9, 0], sizes = [1, 50], strides = [1, 1]} : vector<16x50xf32> to vector<1x50xf32>
      %add3A_177 = vector.broadcast %slice3A_176 : vector<1x50xf32> to vector<128x50xf32>
      %add3A_178 = arith.addf %dot_general3A_175, %add3A_177 : vector<128x50xf32>
      %slice3A_179 = vector.extract_strided_slice %convert_element_type3A_59 {offsets = [1280, 0], sizes = [128, 50], strides = [1, 1]} : vector<2048x50xf32> to vector<128x50xf32>
      %dot_general3A_180 = arith.constant dense<0.000000e+00> : vector<128x50xf32>
      %dot_general3A_181 = tpu.matmul %convert_element_type3A_63, %slice3A_179, %dot_general3A_180 {dimension_numbers = #tpu.dot_dimension_numbers<[1], [0], [0], [1], [0, 0, 1, 1], [], []>, transpose_lhs_hint = false} : vector<128x128xf32>, vector<128x50xf32>, vector<128x50xf32> -> vector<128x50xf32>
      %slice3A_182 = vector.extract_strided_slice %dot_general3A_118 {offsets = [10, 0], sizes = [1, 50], strides = [1, 1]} : vector<16x50xf32> to vector<1x50xf32>
      %add3A_183 = vector.broadcast %slice3A_182 : vector<1x50xf32> to vector<128x50xf32>
      %add3A_184 = arith.addf %dot_general3A_181, %add3A_183 : vector<128x50xf32>
      %slice3A_185 = vector.extract_strided_slice %convert_element_type3A_59 {offsets = [1408, 0], sizes = [128, 50], strides = [1, 1]} : vector<2048x50xf32> to vector<128x50xf32>
      %dot_general3A_186 = arith.constant dense<0.000000e+00> : vector<128x50xf32>
      %dot_general3A_187 = tpu.matmul %convert_element_type3A_63, %slice3A_185, %dot_general3A_186 {dimension_numbers = #tpu.dot_dimension_numbers<[1], [0], [0], [1], [0, 0, 1, 1], [], []>, transpose_lhs_hint = false} : vector<128x128xf32>, vector<128x50xf32>, vector<128x50xf32> -> vector<128x50xf32>
      %slice3A_188 = vector.extract_strided_slice %dot_general3A_118 {offsets = [11, 0], sizes = [1, 50], strides = [1, 1]} : vector<16x50xf32> to vector<1x50xf32>
      %add3A_189 = vector.broadcast %slice3A_188 : vector<1x50xf32> to vector<128x50xf32>
      %add3A_190 = arith.addf %dot_general3A_187, %add3A_189 : vector<128x50xf32>
      %slice3A_191 = vector.extract_strided_slice %convert_element_type3A_59 {offsets = [1536, 0], sizes = [128, 50], strides = [1, 1]} : vector<2048x50xf32> to vector<128x50xf32>
      %dot_general3A_192 = arith.constant dense<0.000000e+00> : vector<128x50xf32>
      %dot_general3A_193 = tpu.matmul %convert_element_type3A_63, %slice3A_191, %dot_general3A_192 {dimension_numbers = #tpu.dot_dimension_numbers<[1], [0], [0], [1], [0, 0, 1, 1], [], []>, transpose_lhs_hint = false} : vector<128x128xf32>, vector<128x50xf32>, vector<128x50xf32> -> vector<128x50xf32>
      %slice3A_194 = vector.extract_strided_slice %dot_general3A_118 {offsets = [12, 0], sizes = [1, 50], strides = [1, 1]} : vector<16x50xf32> to vector<1x50xf32>
      %add3A_195 = vector.broadcast %slice3A_194 : vector<1x50xf32> to vector<128x50xf32>
      %add3A_196 = arith.addf %dot_general3A_193, %add3A_195 : vector<128x50xf32>
      %slice3A_197 = vector.extract_strided_slice %convert_element_type3A_59 {offsets = [1664, 0], sizes = [128, 50], strides = [1, 1]} : vector<2048x50xf32> to vector<128x50xf32>
      %dot_general3A_198 = arith.constant dense<0.000000e+00> : vector<128x50xf32>
      %dot_general3A_199 = tpu.matmul %convert_element_type3A_63, %slice3A_197, %dot_general3A_198 {dimension_numbers = #tpu.dot_dimension_numbers<[1], [0], [0], [1], [0, 0, 1, 1], [], []>, transpose_lhs_hint = false} : vector<128x128xf32>, vector<128x50xf32>, vector<128x50xf32> -> vector<128x50xf32>
      %slice3A_200 = vector.extract_strided_slice %dot_general3A_118 {offsets = [13, 0], sizes = [1, 50], strides = [1, 1]} : vector<16x50xf32> to vector<1x50xf32>
      %add3A_201 = vector.broadcast %slice3A_200 : vector<1x50xf32> to vector<128x50xf32>
      %add3A_202 = arith.addf %dot_general3A_199, %add3A_201 : vector<128x50xf32>
      %slice3A_203 = vector.extract_strided_slice %convert_element_type3A_59 {offsets = [1792, 0], sizes = [128, 50], strides = [1, 1]} : vector<2048x50xf32> to vector<128x50xf32>
      %dot_general3A_204 = arith.constant dense<0.000000e+00> : vector<128x50xf32>
      %dot_general3A_205 = tpu.matmul %convert_element_type3A_63, %slice3A_203, %dot_general3A_204 {dimension_numbers = #tpu.dot_dimension_numbers<[1], [0], [0], [1], [0, 0, 1, 1], [], []>, transpose_lhs_hint = false} : vector<128x128xf32>, vector<128x50xf32>, vector<128x50xf32> -> vector<128x50xf32>
      %slice3A_206 = vector.extract_strided_slice %dot_general3A_118 {offsets = [14, 0], sizes = [1, 50], strides = [1, 1]} : vector<16x50xf32> to vector<1x50xf32>
      %add3A_207 = vector.broadcast %slice3A_206 : vector<1x50xf32> to vector<128x50xf32>
      %add3A_208 = arith.addf %dot_general3A_205, %add3A_207 : vector<128x50xf32>
      %slice3A_209 = vector.extract_strided_slice %convert_element_type3A_59 {offsets = [1920, 0], sizes = [128, 50], strides = [1, 1]} : vector<2048x50xf32> to vector<128x50xf32>
      %dot_general3A_210 = arith.constant dense<0.000000e+00> : vector<128x50xf32>
      %dot_general3A_211 = tpu.matmul %convert_element_type3A_63, %slice3A_209, %dot_general3A_210 {dimension_numbers = #tpu.dot_dimension_numbers<[1], [0], [0], [1], [0, 0, 1, 1], [], []>, transpose_lhs_hint = false} : vector<128x128xf32>, vector<128x50xf32>, vector<128x50xf32> -> vector<128x50xf32>
      %slice3A_212 = vector.extract_strided_slice %dot_general3A_118 {offsets = [15, 0], sizes = [1, 50], strides = [1, 1]} : vector<16x50xf32> to vector<1x50xf32>
      %add3A_213 = vector.broadcast %slice3A_212 : vector<1x50xf32> to vector<128x50xf32>
      %add3A_214 = arith.addf %dot_general3A_211, %add3A_213 : vector<128x50xf32>
      %concatenate3A_215 = tpu.concatenate %add3A_124, %add3A_130, %add3A_136, %add3A_142, %add3A_148, %add3A_154, %add3A_160, %add3A_166, %add3A_172, %add3A_178, %add3A_184, %add3A_190, %add3A_196, %add3A_202, %add3A_208, %add3A_214 in 0 : vector<128x50xf32>, vector<128x50xf32>, vector<128x50xf32>, vector<128x50xf32>, vector<128x50xf32>, vector<128x50xf32>, vector<128x50xf32>, vector<128x50xf32>, vector<128x50xf32>, vector<128x50xf32>, vector<128x50xf32>, vector<128x50xf32>, vector<128x50xf32>, vector<128x50xf32>, vector<128x50xf32>, vector<128x50xf32> -> vector<2048x50xf32>
      %convert_element_type3A_216 = arith.fptosi %concatenate3A_215 : vector<2048x50xf32> to vector<2048x50xi32>
      %convert_element_type3A_217 = arith.fptosi %convert_element_type3A_59 : vector<2048x50xf32> to vector<2048x50xi32>
      %mul3A_218 = arith.muli %convert_element_type3A_217, %convert_element_type3A_216 : vector<2048x50xi32>
      %reduce_sum3A_219 = arith.constant dense<0> : vector<2048xi32>
      %reduce_sum3A_220 = vector.multi_reduction <add>, %mul3A_218, %reduce_sum3A_219 [1] : vector<2048x50xi32> to vector<2048xi32>
      %sub3A_221 = arith.constant 1 : i32
      %sub3A_222 = vector.broadcast %sub3A_221 : i32 to vector<2048xi32>
      %sub3A_223 = arith.subi %reduce_sum3A_220, %sub3A_222 : vector<2048xi32>
      %slice3A_224 = vector.extract_strided_slice %convert_element_type3A_216 {offsets = [2047, 0], sizes = [1, 50], strides = [1, 1]} : vector<2048x50xi32> to vector<1x50xi32>
      %add3A_225 = arith.constant 64 : i32
      %add3A_226 = vector.broadcast %add3A_225 : i32 to vector<1x50xi32>
      %add3A_227 = arith.addi %slice3A_224, %add3A_226 : vector<1x50xi32>
      %sub3A_228 = arith.constant 1 : i32
      %sub3A_229 = vector.broadcast %sub3A_228 : i32 to vector<1x50xi32>
      %sub3A_230 = arith.subi %add3A_227, %sub3A_229 : vector<1x50xi32>
      %jit3A_231 = arith.constant 64 : i32
      %div3A_232 = vector.broadcast %jit3A_231 : i32 to vector<1x50xi32>
      %div3A_233 = arith.divsi %sub3A_230, %div3A_232 : vector<1x50xi32>
      %sign3A = arith.constant 0 : i32
      %sign3A_234 = vector.broadcast %sign3A : i32 to vector<1x50xi32>
      %sign3A_235 = arith.cmpi sgt, %sub3A_230, %sign3A_234 : vector<1x50xi32>
      %sign3A_236 = arith.extui %sign3A_235 : vector<1x50xi1> to vector<1x50xi32>
      %sign3A_237 = arith.constant 0 : i32
      %sign3A_238 = vector.broadcast %sign3A_237 : i32 to vector<1x50xi32>
      %sign3A_239 = arith.cmpi slt, %sub3A_230, %sign3A_238 : vector<1x50xi32>
      %sign3A_240 = arith.extui %sign3A_239 : vector<1x50xi1> to vector<1x50xi32>
      %sign3A_241 = arith.subi %sign3A_236, %sign3A_240 : vector<1x50xi32>
      %sign3A_242 = arith.constant 0 : i32
      %sign3A_243 = arith.cmpi sgt, %jit3A_231, %sign3A_242 : i32
      %sign3A_244 = arith.extui %sign3A_243 : i1 to i32
      %sign3A_245 = arith.constant 0 : i32
      %sign3A_246 = arith.cmpi slt, %jit3A_231, %sign3A_245 : i32
      %sign3A_247 = arith.extui %sign3A_246 : i1 to i32
      %sign3A_248 = arith.subi %sign3A_244, %sign3A_247 : i32
      %ne3A = vector.broadcast %sign3A_248 : i32 to vector<1x50xi32>
      %ne3A_249 = arith.cmpi ne, %sign3A_241, %ne3A : vector<1x50xi32>
      %rem3A = vector.broadcast %jit3A_231 : i32 to vector<1x50xi32>
      %rem3A_250 = arith.remsi %sub3A_230, %rem3A : vector<1x50xi32>
      %ne3A_251 = arith.constant 0 : i32
      %ne3A_252 = vector.broadcast %ne3A_251 : i32 to vector<1x50xi32>
      %ne3A_253 = arith.cmpi ne, %rem3A_250, %ne3A_252 : vector<1x50xi32>
      %and3A = arith.andi %ne3A_249, %ne3A_253 : vector<1x50xi1>
      %sub3A_254 = arith.constant 1 : i32
      %sub3A_255 = vector.broadcast %sub3A_254 : i32 to vector<1x50xi32>
      %sub3A_256 = arith.subi %div3A_233, %sub3A_255 : vector<1x50xi32>
      %select_n3A_257 = arith.select %and3A, %sub3A_256, %div3A_233 : vector<1x50xi1>, vector<1x50xi32>
      %iota3A_258 = tpu.iota {dimensions = array<i32: 0>} : vector<50x50xi32>
      %iota3A_259 = tpu.iota {dimensions = array<i32: 1>} : vector<50x50xi32>
      %le3A = arith.cmpi sle, %iota3A_258, %iota3A_259 : vector<50x50xi32>
      %convert_element_type3A_260 = arith.extui %le3A : vector<50x50xi1> to vector<50x50xi32>
      %convert_element_type3A_261 = arith.sitofp %convert_element_type3A_260 : vector<50x50xi32> to vector<50x50xf32>
      %convert_element_type3A_262 = arith.sitofp %select_n3A_257 : vector<1x50xi32> to vector<1x50xf32>
      %dot_general3A_263 = arith.constant dense<0.000000e+00> : vector<1x50xf32>
      %dot_general3A_264 = tpu.matmul %convert_element_type3A_262, %convert_element_type3A_261, %dot_general3A_263 {dimension_numbers = #tpu.dot_dimension_numbers<[1], [0], [0], [1], [0, 0, 1, 1], [], []>, transpose_lhs_hint = false} : vector<1x50xf32>, vector<50x50xf32>, vector<1x50xf32> -> vector<1x50xf32>
      %convert_element_type3A_265 = arith.fptosi %dot_general3A_264 : vector<1x50xf32> to vector<1x50xi32>
      %sub3A_266 = arith.subi %convert_element_type3A_265, %select_n3A_257 : vector<1x50xi32>
      %mul3A_267 = arith.constant 64 : i32
      %mul3A_268 = vector.broadcast %mul3A_267 : i32 to vector<1x50xi32>
      %mul3A_269 = arith.muli %sub3A_266, %mul3A_268 : vector<1x50xi32>
      %mul3A_270 = vector.broadcast %mul3A_269 : vector<1x50xi32> to vector<2048x50xi32>
      %mul3A_271 = arith.muli %convert_element_type3A_217, %mul3A_270 : vector<2048x50xi32>
      %reduce_sum3A_272 = arith.constant dense<0> : vector<2048xi32>
      %reduce_sum3A_273 = vector.multi_reduction <add>, %mul3A_271, %reduce_sum3A_272 [1] : vector<2048x50xi32> to vector<2048xi32>
      %add3A_274 = arith.addi %reduce_sum3A_273, %sub3A_223 : vector<2048xi32>
      %broadcast_in_dim3A_275 = vector.shape_cast %add3A_274 : vector<2048xi32> to vector<2048x1xi32>
      %swap3A_276 = arith.constant 0 : index
      %swap3A_277 = arith.constant 0 : index
      %swap3A_278 = vector.load %arg9[%swap3A_276, %swap3A_277] : memref<2048x1xi32, #tpu.memory_space<vmem>>, vector<2048x1xi32>
      tpu.vector_store %arg9[%swap3A_276, %swap3A_277], %broadcast_in_dim3A_275 {strides = array<i32>} : memref<2048x1xi32, #tpu.memory_space<vmem>>, vector<2048x1xi32>,
      %iota3A_279 = tpu.iota {dimensions = array<i32: 0>} : vector<84x50xi32>
      %ge3A_280 = vector.broadcast %convert_element_type3A_265 : vector<1x50xi32> to vector<84x50xi32>
      %ge3A_281 = arith.cmpi sge, %iota3A_279, %ge3A_280 : vector<84x50xi32>
      %convert_element_type3A_282 = arith.extui %ge3A_281 : vector<84x50xi1> to vector<84x50xi32>
      %reduce_sum3A_283 = arith.constant dense<0> : vector<84xi32>
      %reduce_sum3A_284 = vector.multi_reduction <add>, %convert_element_type3A_282, %reduce_sum3A_283 [1] : vector<84x50xi32> to vector<84xi32>
      %min3A = arith.constant 49 : i32
      %min3A_285 = vector.broadcast %min3A : i32 to vector<84xi32>
      %min3A_286 = arith.minsi %reduce_sum3A_284, %min3A_285 : vector<84xi32>
      %broadcast_in_dim3A_287 = vector.shape_cast %min3A_286 : vector<84xi32> to vector<1x84xi32>
      %swap3A_288 = arith.constant 0 : index
      %swap3A_289 = arith.constant 0 : index
      %swap3A_290 = vector.load %arg10[%swap3A_288, %swap3A_289] : memref<1x84xi32, #tpu.memory_space<vmem>>, vector<1x84xi32>
      tpu.vector_store %arg10[%swap3A_288, %swap3A_289], %broadcast_in_dim3A_287 {strides = array<i32>} : memref<1x84xi32, #tpu.memory_space<vmem>>, vector<1x84xi32>,
      %swap3A_291 = arith.constant 0 : index
      %swap3A_292 = arith.constant 0 : index
      %swap3A_293 = vector.load %arg11[%swap3A_291, %swap3A_292] : memref<1x50xi32, #tpu.memory_space<vmem>>, vector<1x50xi32>
      tpu.vector_store %arg11[%swap3A_291, %swap3A_292], %convert_element_type3A_265 {strides = array<i32>} : memref<1x50xi32, #tpu.memory_space<vmem>>, vector<1x50xi32>,
    } else {
    }
    return
  }
  func.func @transform_0(%arg0: i32) -> (i32, i32) {
    %c0_i32 = arith.constant 0 : i32
    %c0_i32_0 = arith.constant 0 : i32
    return %arg0, %c0_i32 : i32, i32
  }
  func.func @transform_1(%arg0: i32) -> (i32, i32) {
    %c0_i32 = arith.constant 0 : i32
    %c0_i32_0 = arith.constant 0 : i32
    %c0_i32_1 = arith.constant 0 : i32
    return %c0_i32, %c0_i32_0 : i32, i32
  }
  func.func @transform_2(%arg0: i32) -> (i32, i32) {
    %c0_i32 = arith.constant 0 : i32
    %c0_i32_0 = arith.constant 0 : i32
    %c0_i32_1 = arith.constant 0 : i32
    return %c0_i32, %c0_i32_0 : i32, i32
  }
  func.func @transform_3(%arg0: i32) -> (i32, i32) {
    %c0_i32 = arith.constant 0 : i32
    %c0_i32_0 = arith.constant 0 : i32
    %c0_i32_1 = arith.constant 0 : i32
    return %c0_i32, %c0_i32_0 : i32, i32
  }
  func.func @transform_4(%arg0: i32) -> (i32, i32) {
    %c0_i32 = arith.constant 0 : i32
    %c0_i32_0 = arith.constant 0 : i32
    %c0_i32_1 = arith.constant 0 : i32
    return %c0_i32, %c0_i32_0 : i32, i32
  }
  func.func @transform_5(%arg0: i32) -> (i32, i32, i32) {
    %c0_i32 = arith.constant 0 : i32
    %c0_i32_0 = arith.constant 0 : i32
    %c0_i32_1 = arith.constant 0 : i32
    return %arg0, %c0_i32, %c0_i32_0 : i32, i32, i32
  }
  func.func @transform_6(%arg0: i32) -> (i32, i32) {
    %c0_i32 = arith.constant 0 : i32
    %c0_i32_0 = arith.constant 0 : i32
    return %arg0, %c0_i32 : i32, i32
  }
  func.func @transform_7(%arg0: i32) -> (i32, i32) {
    %c0_i32 = arith.constant 0 : i32
    %c0_i32_0 = arith.constant 0 : i32
    return %arg0, %c0_i32 : i32, i32
  }
  func.func @transform_8(%arg0: i32) -> (i32, i32) {
    %c0_i32 = arith.constant 0 : i32
    %c0_i32_0 = arith.constant 0 : i32
    %c0_i32_1 = arith.constant 0 : i32
    return %c0_i32, %c0_i32_0 : i32, i32
  }
  func.func @transform_9(%arg0: i32) -> (i32, i32) {
    %c0_i32 = arith.constant 0 : i32
    %c0_i32_0 = arith.constant 0 : i32
    %c0_i32_1 = arith.constant 0 : i32
    return %c0_i32, %c0_i32_0 : i32, i32
  }
  func.func @transform_10(%arg0: i32) -> (i32, i32) {
    %c0_i32 = arith.constant 0 : i32
    %c0_i32_0 = arith.constant 0 : i32
    %c0_i32_1 = arith.constant 0 : i32
    return %c0_i32, %c0_i32_0 : i32, i32
  }
}

module attributes {stable_mosaic.version = 14 : i64} {
  func.func @_gmm_body(%arg0: i32, %arg1: memref<84xi32, #tpu.memory_space<smem>>, %arg2: memref<50xi32, #tpu.memory_space<smem>>, %arg3: memref<64x768xf32, #tpu.memory_space<vmem>>, %arg4: memref<1x768x768xf32, #tpu.memory_space<vmem>>, %arg5: memref<1x1x768xf32, #tpu.memory_space<vmem>>, %arg6: memref<64x768xf32, #tpu.memory_space<vmem>>) attributes {dimension_semantics = [#tpu.dimension_semantics<arbitrary>], iteration_bounds = array<i64: 84>, scalar_prefetch = 2 : i64, scratch_operands = 0 : i64, tpu.core_type = #tpu.core_type<tc>, window_params = [{transform_indices = @transform_0, window_bounds = array<i64: 64, 768>}, {transform_indices = @transform_1, window_bounds = array<i64: 1, 768, 768>}, {transform_indices = @transform_2, window_bounds = array<i64: 1, 1, 768>}, {transform_indices = @transform_3, window_bounds = array<i64: 64, 768>}]} {
    %get3A = arith.constant 49 : index
    %get3A_0 = memref.load %arg2[%get3A] : memref<50xi32, #tpu.memory_space<smem>>
    %lt3A = arith.cmpi slt, %arg0, %get3A_0 : i32
    %convert_element_type3A = arith.extui %lt3A : i1 to i32
    %cond3A = arith.constant 0 : i32
    %cond3A_1 = arith.cmpi ne, %convert_element_type3A, %cond3A : i32
    scf.if %cond3A_1 {
      %get3A_2 = arith.constant 0 : index
      %get3A_3 = arith.constant 0 : index
      %get3A_4 = vector.load %arg3[%get3A_2, %get3A_3] : memref<64x768xf32, #tpu.memory_space<vmem>>, vector<64x768xf32>
      %get3A_5 = arith.constant 0 : index
      %get3A_6 = arith.constant 0 : index
      %get3A_7 = arith.constant 0 : index
      %get3A_8 = vector.load %arg4[%get3A_5, %get3A_6, %get3A_7] : memref<1x768x768xf32, #tpu.memory_space<vmem>>, vector<1x768x768xf32>
      %get3A_9 = vector.shape_cast %get3A_8 : vector<1x768x768xf32> to vector<768x768xf32>
      %dot_general3A = arith.constant dense<0.000000e+00> : vector<64x768xf32>
      %dot_general3A_10 = tpu.matmul %get3A_4, %get3A_9, %dot_general3A {dimension_numbers = #tpu.dot_dimension_numbers<[1], [0], [0], [1], [0, 0, 1, 1], [], []>, transpose_lhs_hint = false} : vector<64x768xf32>, vector<768x768xf32>, vector<64x768xf32> -> vector<64x768xf32>
      %get3A_11 = arith.constant 0 : index
      %get3A_12 = arith.constant 0 : index
      %get3A_13 = arith.constant 0 : index
      %get3A_14 = vector.load %arg5[%get3A_11, %get3A_12, %get3A_13] : memref<1x1x768xf32, #tpu.memory_space<vmem>>, vector<1x1x768xf32>
      %get3A_15 = vector.shape_cast %get3A_14 : vector<1x1x768xf32> to vector<1x768xf32>
      %add3A = vector.broadcast %get3A_15 : vector<1x768xf32> to vector<64x768xf32>
      %add3A_16 = arith.addf %dot_general3A_10, %add3A : vector<64x768xf32>
      %swap3A = arith.constant 0 : index
      %swap3A_17 = arith.constant 0 : index
      %swap3A_18 = vector.load %arg6[%swap3A, %swap3A_17] : memref<64x768xf32, #tpu.memory_space<vmem>>, vector<64x768xf32>
      tpu.vector_store %arg6[%swap3A, %swap3A_17], %add3A_16 {strides = array<i32>} : memref<64x768xf32, #tpu.memory_space<vmem>>, vector<64x768xf32>,
    } else {
    }
    return
  }
  func.func @transform_0(%arg0: i32, %arg1: memref<84xi32, #tpu.memory_space<smem>>, %arg2: memref<50xi32, #tpu.memory_space<smem>>) -> (i32, i32) {
    %get3A = arith.constant 49 : index
    %get3A_0 = memref.load %arg2[%get3A] : memref<50xi32, #tpu.memory_space<smem>>
    %sub3A = arith.constant 1 : i32
    %sub3A_1 = arith.subi %get3A_0, %sub3A : i32
    %min3A = arith.minsi %arg0, %sub3A_1 : i32
    %c0_i32 = arith.constant 0 : i32
    %c0_i32_2 = arith.constant 0 : i32
    return %min3A, %c0_i32 : i32, i32
  }
  func.func @transform_1(%arg0: i32, %arg1: memref<84xi32, #tpu.memory_space<smem>>, %arg2: memref<50xi32, #tpu.memory_space<smem>>) -> (i32, i32, i32) {
    %get3A = arith.index_cast %arg0 : i32 to index
    %get3A_0 = memref.load %arg1[%get3A] : memref<84xi32, #tpu.memory_space<smem>>
    %c0_i32 = arith.constant 0 : i32
    %c0_i32_1 = arith.constant 0 : i32
    %c0_i32_2 = arith.constant 0 : i32
    return %get3A_0, %c0_i32, %c0_i32_1 : i32, i32, i32
  }
  func.func @transform_2(%arg0: i32, %arg1: memref<84xi32, #tpu.memory_space<smem>>, %arg2: memref<50xi32, #tpu.memory_space<smem>>) -> (i32, i32, i32) {
    %get3A = arith.index_cast %arg0 : i32 to index
    %get3A_0 = memref.load %arg1[%get3A] : memref<84xi32, #tpu.memory_space<smem>>
    %c0_i32 = arith.constant 0 : i32
    %c0_i32_1 = arith.constant 0 : i32
    %c0_i32_2 = arith.constant 0 : i32
    return %get3A_0, %c0_i32, %c0_i32_1 : i32, i32, i32
  }
  func.func @transform_3(%arg0: i32, %arg1: memref<84xi32, #tpu.memory_space<smem>>, %arg2: memref<50xi32, #tpu.memory_space<smem>>) -> (i32, i32) {
    %c0_i32 = arith.constant 0 : i32
    %c0_i32_0 = arith.constant 0 : i32
    return %arg0, %c0_i32 : i32, i32
  }
}

</mosaic_0001>

<sc_bundles>
// kernel: kernel.6.cloned.1.call-start
scs
__scs_entry_jumppad:
0x0: {  	(pc) =	sbr.rel $0x88, $3  }
0x1: {  	(tag) =	ssettag $0x0;
	lr =	simm.s32 $0x1  }
0x2: {  	[smem:$0x3F9A] =	sst lr;
	_ =	strace $0xD0000000  }
0x3: {  	_ = 	snop  }
0x4: {  	_ = 	snop  }
0x5: {  	_ = 	snop  }
0x6: {  	_ = 	snop  }
0x7: {  	_ = 	snop  }
__scs_overlays_trampoline_lowered:
0x8: {  	[smem:$0x3FA9] =	sst s0  }
0x9: {  	[smem:$0x3FAA] =	sst s1  }
0xa: {  	[smem:$0x3FAB] =	sst s2  }
0xb: {  	[smem:$0x3FAC] =	sst s3  }
0xc: {  	[smem:$0x3FAD] =	sst s4  }
0xd: {  	[smem:$0x3FAE] =	sst s5  }
0xe: {  	[smem:$0x3FAF] =	sst s6  }
0xf: {  	[smem:$0x3FB0] =	sst s7  }
0x10: {  	[smem:$0x3FB1] =	sst s8  }
0x11: {  	[smem:$0x3FB2] =	sst s9;
	s0 =	simm.s32 @!p0 $0x0  }
0x12: {  	s1 =	sld [smem:$0x3F98];
	s0 =	simm.s32 @p0 $0x1  }
0x13: {  	[smem:$0x3FB3] =	sst s0;
	s0 =	simm.s32 @!p1 $0x0  }
0x14: {  	s2 =	sld [smem:$0x3F97];
	s0 =	simm.s32 @p1 $0x1  }
0x15: {  	[smem:$0x3FB4] =	sst s0;
	s0 =	simm.s32 @!p2 $0x0  }
0x16: {  	s3 =	sld [smem:$0x3FDB];
	s0 =	simm.s32 @p2 $0x1  }
0x17: {  	s4 =	simm.s32 $0x1BF5;
	[smem:$0x3FB6] =	sst s0  }
0x18: {  	s0 =	sld [smem:$0x3F99];
	_ =	swait.ge [sflag:s4], $0x0  }
0x19: {  	s7 =	sld [smem:$0x3F9A]  }
0x1a: {  	s8 =	sadd.s32 $0xFFFFE003, lr  }
0x1b: {  	s9 =	sadd.s32 $0xFFFFFEF7, lr;
	s5 =	simm.s32 $0xFFFFFFFF;
	p2 =	slt.u32 s8, $0xFFFFF086  }
0x1c: {  	p1 =	slt.u32 s9, $0xF7A;
	s5 =	simm.s32 @!p2 $0x0  }
0x1d: {  	s5 =	simm.s32 @p1 $0x1;
	p0 =	seq.s32 s7, s2  }
0x1e: {  	s7 =	smul.u32 @!p0 $0xF7A, s2;
	p2 =	seq.s32 @!p0 s5, $0x0  }
0x1f: {  	s9 =	smul.u32 $0xF7A, s1;
	s8 =	simm.s32 @!p0 $0x1BF5;
	p2 =	por !p2, p0  }
0x20: {  	[sflag:s8] =	ssyncset.s32 @!p0 $0xFFFFF086;
	s6 =	sadd.s32 @!p0 s3, s7;
	s7 =	simm.s32 @!p0 $0x108  }
0x21: {  	s3 =	sadd.s32 s3, s9;
	s6 =	sadd.s32 @!p0 $0x88, s6;
	s7 =	simm.s32 @p2 $0x1082  }
0x22: {  	[simem:s7], [sflag:s8] =	dma.local @!p0 [hbm:s6], $0xF7A  }
0x23: {  	s9 =	sor.u32 $0xD0000000, s2;
	s6 =	simm.s32 $0x108;
	_ =	swait.ge @!p0 [sflag:s8], $0x0  }
0x24: {  	s3 =	sadd.s32 $0x88, s3;
	s6 =	simm.s32 @!p1 $0x1082;
	[sflag:s4] =	ssyncset.s32 $0xFFFFF086  }
0x25: {  	[simem:s6], [sflag:s4] =	dma.local [hbm:s3], $0xF7A  }
0x26: {  	[smem:$0x3F9A] =	sst s1;
	(tag) =	ssettag s2;
	_ =	strace s9  }
0x27: {  	s1 =	sld [smem:$0x3FAA]  }
0x28: {  	s2 =	sld [smem:$0x3FAB]  }
0x29: {  	s4 =	sld [smem:$0x3FAD]  }
0x2a: {  	p0 =	seq.s32 s5, $0x0;
	s5 =	sld [smem:$0x3FAE]  }
0x2b: {  	s6 =	sld [smem:$0x3FAF]  }
0x2c: {  	s7 =	sld [smem:$0x3FB0]  }
0x2d: {  	s3 =	simm.s32 $0x108;
	s8 =	sld [smem:$0x3FB1]  }
0x2e: {  	s3 =	simm.s32 @!p0 $0x1082;
	s9 =	sld [smem:$0x3FB2]  }
0x2f: {  	lr =	sadd.s32 s0, s3;
	s0 =	sld [smem:$0x3FA9]  }
0x30: {  	s3 =	sld [smem:$0x3FAC]  }
0x31: {  	[smem:$0x3FB5] =	sst s10  }
0x32: {  	s10 =	sld [smem:$0x3FB3];
	_ =	sdelay $0x3  }
0x33: {  	p0 =	seq.s32 s10, $0x1;
	s10 =	sld [smem:$0x3FB5];
	_ =	sdelay $0x3  }
0x34: {  	[smem:$0x3FB5] =	sst s10  }
0x35: {  	s10 =	sld [smem:$0x3FB4];
	_ =	sdelay $0x3  }
0x36: {  	p1 =	seq.s32 s10, $0x1;
	s10 =	sld [smem:$0x3FB5];
	_ =	sdelay $0x3  }
0x37: {  	[smem:$0x3FB5] =	sst s10  }
0x38: {  	s10 =	sld [smem:$0x3FB6]  }
0x39: {  	_ = 	snop;
	(pc) =	sbr.ind lr, $3  }
0x3a: {  	_ = 	snop  }
0x3b: {  	_ = 	snop  }
0x3c: {  	p2 =	seq.s32 s10, $0x1;
	s10 =	sld [smem:$0x3FB5]  }
0x3d: {  	_ =	shalt  }
0x3e: {  	_ =	shalt  }
0x3f: {  	_ =	shalt  }
0x40: {  	_ =	shalt  }
0x41: {  	_ =	shalt  }
0x42: {  	_ =	shalt  }
0x43: {  	_ =	shalt  }
0x44: {  	_ =	shalt  }
0x45: {  	_ =	shalt  }
0x46: {  	_ =	shalt  }
0x47: {  	_ =	shalt  }
0x48: {  	_ =	shalt  }
0x49: {  	_ =	shalt  }
0x4a: {  	_ =	shalt  }
0x4b: {  	_ =	shalt  }
0x4c: {  	_ =	shalt  }
0x4d: {  	_ =	shalt  }
0x4e: {  	_ =	shalt  }
0x4f: {  	_ =	shalt  }
0x50: {  	_ =	shalt  }
0x51: {  	_ =	shalt  }
0x52: {  	_ =	shalt  }
0x53: {  	_ =	shalt  }
0x54: {  	_ =	shalt  }
0x55: {  	_ =	shalt  }
0x56: {  	_ =	shalt  }
0x57: {  	_ =	shalt  }
0x58: {  	_ =	shalt  }
0x59: {  	_ =	shalt  }
0x5a: {  	_ =	shalt  }
0x5b: {  	_ =	shalt  }
0x5c: {  	_ =	shalt  }
0x5d: {  	_ =	shalt  }
0x5e: {  	_ =	shalt  }
0x5f: {  	_ =	shalt  }
0x60: {  	_ =	shalt  }
0x61: {  	_ =	shalt  }
0x62: {  	_ =	shalt  }
0x63: {  	_ =	shalt  }
0x64: {  	_ =	shalt  }
0x65: {  	_ =	shalt  }
0x66: {  	_ =	shalt  }
0x67: {  	_ =	shalt  }
0x68: {  	_ =	shalt  }
0x69: {  	_ =	shalt  }
0x6a: {  	_ =	shalt  }
0x6b: {  	_ =	shalt  }
0x6c: {  	_ =	shalt  }
0x6d: {  	_ =	shalt  }
0x6e: {  	_ =	shalt  }
0x6f: {  	_ =	shalt  }
0x70: {  	_ =	shalt  }
0x71: {  	_ =	shalt  }
0x72: {  	_ =	shalt  }
0x73: {  	_ =	shalt  }
0x74: {  	_ =	shalt  }
0x75: {  	_ =	shalt  }
0x76: {  	_ =	shalt  }
0x77: {  	_ =	shalt  }
0x78: {  	_ =	shalt  }
0x79: {  	_ =	shalt  }
0x7a: {  	_ =	shalt  }
0x7b: {  	_ =	shalt  }
0x7c: {  	_ =	shalt  }
0x7d: {  	_ =	shalt  }
0x7e: {  	_ =	shalt  }
0x7f: {  	_ =	shalt  }
0x80: {  	_ =	shalt  }
0x81: {  	_ =	shalt  }
0x82: {  	_ =	shalt  }
0x83: {  	_ =	shalt  }
0x84: {  	_ =	shalt  }
0x85: {  	_ =	shalt  }
0x86: {  	_ =	shalt  }
0x87: {  	_ =	shalt  }
.Lfunc_end0:
.L_simem_size_0:
called_computation_lowered:
.L_overlay_start_0:
0x88: {  	s2 =	sld [smem:$0x3FD9]  }
0x89: {  	s3 =	sld [smem:$0x3FFE];
	_ =	sdelay $0x1  }
0x8a: {  	s1 =	srdreg.scid  }
0x8b: {  	s0 =	sand.u32 $0x1, s1  }
0x8c: {  	s17 =	sshll.u32 s0, $0xA;
	s2 =	sadd.s32 s3, s2  }
0x8d: {  	s2 =	sadd.s32 s2, s17  }
0x8e: {  	[smem:$0x3FC1] =	sst s2  }
0x8f: {  	_ = 	snop  }
0x90: {  	s2 =	sld [smem:$0x3FC9];
	(tm) =	ssettm $0x1  }
0x91: {  	s18 =	sld [smem:$0x3FFB];
	_ =	sdelay $0x3  }
0x92: {  	_ =	strace s18  }
0x93: {  	s3 =	sld [smem:$0x3FFC];
	_ =	sdelay $0x3  }
0x94: {  	_ =	strace s3  }
0x95: {  	s3 =	sld [smem:$0x3FFD];
	_ =	sdelay $0x3  }
0x96: {  	_ =	strace s3  }
0x97: {  	_ =	strace $0x8FFFFFFF  }
0x98: {  	s19 =	sld [smem:$0x3FDB];
	_ =	sdelay $0x1  }
0x99: {  	s4 =	simm.s32 $_scs_section_size  }
0x9a: {  	s5 =	simm.s32 $_size__tile_overlayer_lowered;
	s6 =	simm.s32 $_tile_overlayer_lowered  }
0x9b: {  	s22 =	simm.s32 $0x1BFF;
	s21 =	sshll.u32 s6, $0x1;
	s3 =	sadd.s32 s4, s19  }
0x9c: {  	s7 =	simm.s32 $0x0;
	s20 =	sshll.u32 s5, $0x1;
	s5 =	sadd.s32 s21, s3  }
0x9d: {  	[timem:s7], [sflag:s22] =	dma.local [hbm:s5], s20  }
0x9e: {  	_ =	swait.ge [sflag:s22], s20  }
0x9f: {  	s4 =	ssub.s32 $0x0, s20;
	[sflag:s22] =	ssyncset.done $0x0  }
0xa0: {  	[sflag:s22] =	ssyncadd.s32 s4;
	_ =	sdelay $0x1  }
0xa1: {  	s23 =	simm.s32 $0x1B8B  }
0xa2: {  	_ =	swait.ge [sflag:s23], $0x1  }
0xa3: {  	[sflag:s23] =	ssyncset.done $0x0  }
0xa4: {  	s25 =	simm.s32 $0x1B8E;
	s24 =	sld [smem:$0x3FFE];
	[sflag:s23] =	ssyncadd.s32 $0xFFFFFFFF  }
0xa5: {  	s26 =	simm.s32 $execute0_lowered;
	[smem:$0x3FD2] =	sst s25  }
0xa6: {  	s5 =	sshll.u32 s26, $0x1;
	_ =	strace $0x80000046;
	[dreg:$0x1] =	wrdreg $0xFFFFFFFF  }
0xa7: {  	s28 =	simm.s32 $_size_execute0_lowered;
	s3 =	sadd.s32 s3, s5;
	[dreg:$0x0] =	wrdreg $0x0  }
0xa8: {  	s5 =	sshll.u32 s28, $0x1;
	[dreg:$0x2] =	wrdreg s3  }
0xa9: {  	[dreg:$0x3] =	wrdreg s5  }
0xaa: {  	[dreg:$0x4] =	wrdreg $0xC0  }
0xab: {  	_ =	task [dreg:s7], $0x5FFFF  }
0xac: {  	[dreg:$0x1] =	wrdreg $0xFFFFFFFF  }
0xad: {  	[dreg:$0x0] =	wrdreg $0x60  }
0xae: {  	[dreg:$0x2] =	wrdreg s2  }
0xaf: {  	[dreg:$0x3] =	wrdreg s24  }
0xb0: {  	[dreg:$0x4] =	wrdreg $0x9  }
0xb1: {  	_ =	task.clear_ibuf [dreg:s7], $0x5FFFF;
	_ =	strace $0x90000046  }
0xb2: {  	s29 =	simm.s32 $0x9;
	_ =	strace $0x80000048  }
0xb3: {  	_ =	swait.ge [sflag:s29], $0x1  }
0xb4: {  	[sflag:s29] =	ssyncadd.s32 $0xFFFFFFFF  }
0xb5: {  	_ =	strace $0x90000048  }
0xb6: {  	_ =	sfence  }
0xb7: {  	s30 =	sld [smem:$0x0];
	_ =	sdelay $0x2  }
0xb8: {  	s31 =	sshll.u32 s1, $0xD;
	s1 =	sshrl.u32 s1, $0x2  }
0xb9: {  	s3 =	sand.u32 $0x4000, s31;
	s1 =	sadd.s32 s1, s30  }
0xba: {  	s0 =	sor.u32 s3, s0;
	s1 =	sshll.u32 s1, $0x11  }
0xbb: {  	s0 =	sor.u32 s1, s0  }
0xbc: {  	s0 =	sadd.s32 $0x8F2B, s0  }
0xbd: {  	[sflag:s0] =	ssyncadd.remote.s32 $0x1  }
0xbe: {  	_ =	sfence.sel $0xFFFF  }
0xbf: {  	[dreg:$0x0] =	wrdreg $0xFFFFFFFF;
	(pc) =	sbr.abs _section_cstart, $3  }
0xc0: {  	[dreg:$0x1] =	wrdreg $0xFFFFFFFF  }
0xc1: {  	_ =	task.clear_ibuf [dreg:s7], $0x2FFFF;
	_ =	strace $0x9FFFFFFF  }
0xc2: {  	(tm) =	ssettm $0x7FFFFFFF  }
0xc3: {  	_ =	shalt  }
tec
execute0_lowered:
.L_overlay_start_1:
0x0: {  	(tag) =	ssettag $0x1  }
0x1: {  	s1 =	srdreg.scid  }
0x2: {  	s3 =	rddreg [dreg:$0x0];
	s0 =	stileid.u32  }
0x3: {  	s5 =	rddreg [dreg:$0x1];
	s2 =	simm.s32 $0x0;
	s8 =	simm.s32 $0x80  }
0x4: {  	s26 =	simm.s32 $0x880;
	s9 =	simm.s32 $0x1080;
	s10 =	simm.s32 $0x1880  }
0x5: {  	s11 =	simm.s32 $0x2080;
	s12 =	simm.s32 $0x2880;
	s13 =	simm.s32 $0x3080  }
0x6: {  	s14 =	simm.s32 $0x3880;
	s15 =	simm.s32 $0x4080;
	s16 =	simm.s32 $0x4880  }
0x7: {  	s17 =	simm.s32 $0x5080;
	s18 =	simm.s32 $0x5880;
	s19 =	simm.s32 $0x6080  }
0x8: {  	s20 =	simm.s32 $0x6880;
	s21 =	simm.s32 $0x7080;
	s22 =	simm.s32 $0x7880  }
0x9: {  	s23 =	simm.s32 $0x8080;
	s24 =	simm.s32 $0x8880;
	s25 =	simm.s32 $0x9080  }
0xa: {  	s28 =	simm.s32 $0xA080;
	s29 =	simm.s32 $0xA880;
	s30 =	simm.s32 $0xB080  }
0xb: {  	s31 =	simm.s32 $0xB880;
	s1 =	sand.u32 $0x1, s1;
	[smem:$0x7FF] =	sst s2  }
0xc: {  	s4 =	sshll.u32 s0, $0x4;
	s6 =	sshll.u32 s1, $0x3;
	_ =	strace $0x80000047  }
0xd: {  	s1 =	ssub.s32 $0x2, s1;
	[dreg:$0x5] =	wrdreg s26;
	s4 =	sor.u32 s6, s4  }
0xe: {  	s7 =	sshrl.u32 s1, $0x1;
	s6 =	sadd.s32 s4, s5;
	s4 =	smul.u32 $0x300, s4  }
0xf: {  	s26 =	simm.s32 $0x9880;
	s1 =	ssub.s32 s1, s7;
	s6 =	sadd.s32 $0x1200, s6  }
0x10: {  	v2 =	vlaneseq.u32;
	s7 =	simm.s32 $0x2;
	[dreg:$0x3] =	wrdreg s6;
	s4 =	sadd.s32 s3, s4  }
0x11: {  	vm0 =	vmmov $0xffff;
	v1 =	vshrl.u32 v2, $0x3;
	s3 =	sadd.s32 $0x1400, s5;
	s6 =	smax.u32 s1, $0x1;
	s1 =	simm.s32 $0x1  }
0x12: {  	v0 =	vand.u32 $0x7, v2;
	v2 =	vor.u32 $0x8, v2;
	v1 =	vmul.u32 $0x8, v1;
	[dreg:$0x4] =	wrdreg s4;
	s4 =	sadd.s32 $0x1500, s5;
	s5 =	sadd.s32 $0x1600, s5  }
.LBB2_1:
0x13: {  	s0 =	rddreg [dreg:$0x3]  }
0x14: {  	[tilespmem:s2], [sflag:$0x2] =	stream.linear.gather [hbm4b:s0+s2], $0x40, $0x38;
	[tilespmem:$0xC080] =	vst v63  }
0x15: {  	_ =	swait.ge [sflag:s7], $0x40  }
0x16: {  	[sflag:s7] =	ssyncset.done $0x0  }
0x17: {  	s0 =	rddreg [dreg:$0x4];
	[sflag:s7] =	ssyncadd.s32 $0xFFFFFFC0  }
0x18: {  	[tilespmem:s8], [sflag:$0x2] =	stream.linear.gather [hbm4b:s0+s2], $0xC000, $0x38;
	[tilespmem:$0xC080] =	vst v63  }
0x19: {  	_ =	swait.ge [sflag:s7], $0xC000  }
0x1a: {  	[sflag:s7] =	ssyncset.done $0x0  }
0x1b: {  	[sflag:s7] =	ssyncadd.s32 $0xFFFF4000  }
0x1c: {  	v3 =	vld [tilespmem:$0x0];
	_ =	sdelay $0x4  }
0x1d: {  	v4 =	vshrl.u32 v3, $0x3  }
0x1e: {  	v4 =	vmul.u32 $0x30, v4  }
0x1f: {  	v3 =	vand.u32 $0x7, v3  }
0x20: {  	v3 =	vor.u32 v3, v4  }
0x21: {  	v4 =	vperm.xlane v3, v0;
	_ =	sdelay $0x1  }
0x22: {  	v4 =	vadd.s32 v1, v4;
	_ =	sdelay $0x3  }
0x23: {  	v3 =	vperm.xlane v3, v2  }
0x24: {  	[hbm4b:s3+s2] =	stream.indirect_vreg.scatter [tilespmem:s8], [sflag:$0x1], $0x80, v4, vm0, $0xb8;
	[tilespmem:$0xC080] =	vst v63  }
0x25: {  	s0 =	rddreg [dreg:$0x5];
	v3 =	vadd.s32 v1, v3  }
0x26: {  	[hbm4b:s4+s2] =	stream.indirect_vreg.scatter [tilespmem:s0], [sflag:$0x1], $0x80, v4, vm0, $0xb8;
	[tilespmem:$0xC080] =	vst v63  }
0x27: {  	_ = 	snop  }
0x28: {  	[hbm4b:s5+s2] =	stream.indirect_vreg.scatter [tilespmem:s9], [sflag:$0x1], $0x80, v4, vm0, $0xb8;
	[tilespmem:$0xC080] =	vst v63  }
0x29: {  	_ = 	snop  }
0x2a: {  	[hbm4b:s3+s2] =	stream.indirect_vreg.scatter [tilespmem:s10], [sflag:$0x1], $0x80, v3, vm0, $0xb8;
	[tilespmem:$0xC080] =	vst v63  }
0x2b: {  	_ = 	snop  }
0x2c: {  	[hbm4b:s4+s2] =	stream.indirect_vreg.scatter [tilespmem:s11], [sflag:$0x1], $0x80, v3, vm0, $0xb8;
	[tilespmem:$0xC080] =	vst v63  }
0x2d: {  	_ = 	snop  }
0x2e: {  	[hbm4b:s5+s2] =	stream.indirect_vreg.scatter [tilespmem:s12], [sflag:$0x1], $0x80, v3, vm0, $0xb8;
	[tilespmem:$0xC080] =	vst v63  }
0x2f: {  	v3 =	vld [tilespmem:$0x10];
	_ =	sdelay $0x4  }
0x30: {  	v61 =	vshrl.u32 v3, $0x3  }
0x31: {  	v4 =	vmul.u32 $0x30, v61  }
0x32: {  	v3 =	vand.u32 $0x7, v3  }
0x33: {  	v3 =	vor.u32 v3, v4  }
0x34: {  	v4 =	vperm.xlane v3, v0;
	_ =	sdelay $0x1  }
0x35: {  	v4 =	vadd.s32 v1, v4;
	_ =	sdelay $0x3  }
0x36: {  	v3 =	vperm.xlane v3, v2  }
0x37: {  	[hbm4b:s3+s2] =	stream.indirect_vreg.scatter [tilespmem:s13], [sflag:$0x1], $0x80, v4, vm0, $0xb8;
	[tilespmem:$0xC080] =	vst v63  }
0x38: {  	v3 =	vadd.s32 v1, v3  }
0x39: {  	[hbm4b:s4+s2] =	stream.indirect_vreg.scatter [tilespmem:s14], [sflag:$0x1], $0x80, v4, vm0, $0xb8;
	[tilespmem:$0xC080] =	vst v63  }
0x3a: {  	_ = 	snop  }
0x3b: {  	[hbm4b:s5+s2] =	stream.indirect_vreg.scatter [tilespmem:s15], [sflag:$0x1], $0x80, v4, vm0, $0xb8;
	[tilespmem:$0xC080] =	vst v63  }
0x3c: {  	_ = 	snop  }
0x3d: {  	[hbm4b:s3+s2] =	stream.indirect_vreg.scatter [tilespmem:s16], [sflag:$0x1], $0x80, v3, vm0, $0xb8;
	[tilespmem:$0xC080] =	vst v63  }
0x3e: {  	_ = 	snop  }
0x3f: {  	[hbm4b:s4+s2] =	stream.indirect_vreg.scatter [tilespmem:s17], [sflag:$0x1], $0x80, v3, vm0, $0xb8;
	[tilespmem:$0xC080] =	vst v63  }
0x40: {  	_ = 	snop  }
0x41: {  	[hbm4b:s5+s2] =	stream.indirect_vreg.scatter [tilespmem:s18], [sflag:$0x1], $0x80, v3, vm0, $0xb8;
	[tilespmem:$0xC080] =	vst v63  }
0x42: {  	v3 =	vld [tilespmem:$0x20];
	_ =	sdelay $0x4  }
0x43: {  	v62 =	vshrl.u32 v3, $0x3  }
0x44: {  	v4 =	vmul.u32 $0x30, v62  }
0x45: {  	v3 =	vand.u32 $0x7, v3  }
0x46: {  	v3 =	vor.u32 v3, v4  }
0x47: {  	v4 =	vperm.xlane v3, v0;
	_ =	sdelay $0x1  }
0x48: {  	v4 =	vadd.s32 v1, v4;
	_ =	sdelay $0x3  }
0x49: {  	v3 =	vperm.xlane v3, v2  }
0x4a: {  	[hbm4b:s3+s2] =	stream.indirect_vreg.scatter [tilespmem:s19], [sflag:$0x1], $0x80, v4, vm0, $0xb8;
	[tilespmem:$0xC080] =	vst v63  }
0x4b: {  	v3 =	vadd.s32 v1, v3  }
0x4c: {  	[hbm4b:s4+s2] =	stream.indirect_vreg.scatter [tilespmem:s20], [sflag:$0x1], $0x80, v4, vm0, $0xb8;
	[tilespmem:$0xC080] =	vst v63  }
0x4d: {  	_ = 	snop  }
0x4e: {  	[hbm4b:s5+s2] =	stream.indirect_vreg.scatter [tilespmem:s21], [sflag:$0x1], $0x80, v4, vm0, $0xb8;
	[tilespmem:$0xC080] =	vst v63  }
0x4f: {  	_ = 	snop  }
0x50: {  	[hbm4b:s3+s2] =	stream.indirect_vreg.scatter [tilespmem:s22], [sflag:$0x1], $0x80, v3, vm0, $0xb8;
	[tilespmem:$0xC080] =	vst v63  }
0x51: {  	_ = 	snop  }
0x52: {  	[hbm4b:s4+s2] =	stream.indirect_vreg.scatter [tilespmem:s23], [sflag:$0x1], $0x80, v3, vm0, $0xb8;
	[tilespmem:$0xC080] =	vst v63  }
0x53: {  	_ = 	snop  }
0x54: {  	[hbm4b:s5+s2] =	stream.indirect_vreg.scatter [tilespmem:s24], [sflag:$0x1], $0x80, v3, vm0, $0xb8;
	[tilespmem:$0xC080] =	vst v63  }
0x55: {  	v3 =	vld [tilespmem:$0x30];
	_ =	sdelay $0x4  }
0x56: {  	v63 =	vshrl.u32 v3, $0x3  }
0x57: {  	v4 =	vmul.u32 $0x30, v63  }
0x58: {  	v3 =	vand.u32 $0x7, v3  }
0x59: {  	v3 =	vor.u32 v3, v4  }
0x5a: {  	v4 =	vperm.xlane v3, v0;
	_ =	sdelay $0x1  }
0x5b: {  	v4 =	vadd.s32 v1, v4;
	_ =	sdelay $0x3  }
0x5c: {  	v3 =	vperm.xlane v3, v2  }
0x5d: {  	[hbm4b:s3+s2] =	stream.indirect_vreg.scatter [tilespmem:s25], [sflag:$0x1], $0x80, v4, vm0, $0xb8;
	[tilespmem:$0xC080] =	vst v63  }
0x5e: {  	v3 =	vadd.s32 v1, v3  }
0x5f: {  	[hbm4b:s4+s2] =	stream.indirect_vreg.scatter [tilespmem:s26], [sflag:$0x1], $0x80, v4, vm0, $0xb8;
	[tilespmem:$0xC080] =	vst v63  }
0x60: {  	_ = 	snop  }
0x61: {  	[hbm4b:s5+s2] =	stream.indirect_vreg.scatter [tilespmem:s28], [sflag:$0x1], $0x80, v4, vm0, $0xb8;
	[tilespmem:$0xC080] =	vst v63  }
0x62: {  	_ = 	snop  }
0x63: {  	[hbm4b:s3+s2] =	stream.indirect_vreg.scatter [tilespmem:s29], [sflag:$0x1], $0x80, v3, vm0, $0xb8;
	[tilespmem:$0xC080] =	vst v63  }
0x64: {  	p0 =	sne.s32 s6, $0x1  }
0x65: {  	[hbm4b:s4+s2] =	stream.indirect_vreg.scatter [tilespmem:s30], [sflag:$0x1], $0x80, v3, vm0, $0xb8;
	[tilespmem:$0xC080] =	vst v63  }
.Ltmp0:
0x66: {  	_ = 	snop;
	(pc) =	sbr.rel @p0 .LBB2_1-.Ltmp0, $4  }
0x67: {  	[hbm4b:s5+s2] =	stream.indirect_vreg.scatter [tilespmem:s31], [sflag:$0x1], $0x80, v3, vm0, $0xb8;
	[tilespmem:$0xC080] =	vst v63  }
0x68: {  	_ =	swait.ge [sflag:s1], $0xC000  }
0x69: {  	[sflag:s1] =	ssyncset.done $0x0  }
0x6a: {  	s6 =	sadd.s32 $0xFFFFFFFF, s6;
	[sflag:s1] =	ssyncadd.s32 $0xFFFF4000  }
0x6b: {  	_ =	sfence.sel $0x180000  }
0x6c: {  	[bflag:$0x0] =	sbarrier.arrive $0xFFFF  }
0x6d: {  	_ =	strace $0x90000047  }
0x6e: {  	s0 =	stileid.u32;
	[bflag:$0x2] =	sbarrier.arrive $0xFFFF  }
0x6f: {  	p0 =	sne.s32 s0, $0x0;
	s0 =	rddreg [dreg:$0x2]  }
0x70: {  	s0 =	sadd.s32 @!p0 $0x100000, s0  }
0x71: {  	[sflag:s0] =	ssyncadd.tile.s32 @!p0 $0x1;
	_ =	shalt  }
.Lfunc_end2:
_tile_overlayer_lowered:
.L_overlay_start_2:
0x72: {  	(tag) =	ssettag $0x2  }
0x73: {  	s0 =	rddreg [dreg:$0x0];
	s2 =	stileid.u32  }
0x74: {  	s1 =	rddreg [dreg:$0x1];
	p0 =	sne.s32 s2, $0x0  }
0x75: {  	s3 =	rddreg [dreg:$0x2];
	[bflag:$0x3] =	sbarrier.arrive $0xFFFF;
	s2 =	simm.s32 @!p0 $0x1C02  }
0x76: {  	[timem:s3], [sflag:s2] =	dma.local @!p0 [hbm:s0], s1  }
0x77: {  	s0 =	simm.s32 @!p0 $0x2  }
0x78: {  	_ =	swait.ge @!p0 [sflag:s0], s1  }
0x79: {  	s1 =	ssub.s32 @!p0 $0x0, s1;
	[sflag:s0] =	ssyncset.done @!p0 $0x0  }
0x7a: {  	[sflag:s0] =	ssyncadd.s32 @!p0 s1  }
0x7b: {  	[bflag:$0x3] =	sbarrier.arrive $0xFFFF  }
0x7c: {  	_ =	shalt  }

// kernel: kernel.9.cloned.1.call-start
scs
__scs_entry_jumppad:
0x0: {  	(pc) =	sbr.rel $0x88, $3  }
0x1: {  	(tag) =	ssettag $0x0;
	lr =	simm.s32 $0x1  }
0x2: {  	[smem:$0x3F9A] =	sst lr;
	_ =	strace $0xD0000000  }
0x3: {  	_ = 	snop  }
0x4: {  	_ = 	snop  }
0x5: {  	_ = 	snop  }
0x6: {  	_ = 	snop  }
0x7: {  	_ = 	snop  }
__scs_overlays_trampoline_lowered:
0x8: {  	[smem:$0x3FA9] =	sst s0  }
0x9: {  	[smem:$0x3FAA] =	sst s1  }
0xa: {  	[smem:$0x3FAB] =	sst s2  }
0xb: {  	[smem:$0x3FAC] =	sst s3  }
0xc: {  	[smem:$0x3FAD] =	sst s4  }
0xd: {  	[smem:$0x3FAE] =	sst s5  }
0xe: {  	[smem:$0x3FAF] =	sst s6  }
0xf: {  	[smem:$0x3FB0] =	sst s7  }
0x10: {  	[smem:$0x3FB1] =	sst s8  }
0x11: {  	[smem:$0x3FB2] =	sst s9;
	s0 =	simm.s32 @!p0 $0x0  }
0x12: {  	s1 =	sld [smem:$0x3F98];
	s0 =	simm.s32 @p0 $0x1  }
0x13: {  	[smem:$0x3FB3] =	sst s0;
	s0 =	simm.s32 @!p1 $0x0  }
0x14: {  	s2 =	sld [smem:$0x3F97];
	s0 =	simm.s32 @p1 $0x1  }
0x15: {  	[smem:$0x3FB4] =	sst s0;
	s0 =	simm.s32 @!p2 $0x0  }
0x16: {  	s3 =	sld [smem:$0x3FDB];
	s0 =	simm.s32 @p2 $0x1  }
0x17: {  	s4 =	simm.s32 $0x1BF5;
	[smem:$0x3FB6] =	sst s0  }
0x18: {  	s0 =	sld [smem:$0x3F99];
	_ =	swait.ge [sflag:s4], $0x0  }
0x19: {  	s7 =	sld [smem:$0x3F9A]  }
0x1a: {  	s8 =	sadd.s32 $0xFFFFE003, lr  }
0x1b: {  	s9 =	sadd.s32 $0xFFFFFEF7, lr;
	s5 =	simm.s32 $0xFFFFFFFF;
	p2 =	slt.u32 s8, $0xFFFFF086  }
0x1c: {  	p1 =	slt.u32 s9, $0xF7A;
	s5 =	simm.s32 @!p2 $0x0  }
0x1d: {  	s5 =	simm.s32 @p1 $0x1;
	p0 =	seq.s32 s7, s2  }
0x1e: {  	s7 =	smul.u32 @!p0 $0xF7A, s2;
	p2 =	seq.s32 @!p0 s5, $0x0  }
0x1f: {  	s9 =	smul.u32 $0xF7A, s1;
	s8 =	simm.s32 @!p0 $0x1BF5;
	p2 =	por !p2, p0  }
0x20: {  	[sflag:s8] =	ssyncset.s32 @!p0 $0xFFFFF086;
	s6 =	sadd.s32 @!p0 s3, s7;
	s7 =	simm.s32 @!p0 $0x108  }
0x21: {  	s3 =	sadd.s32 s3, s9;
	s6 =	sadd.s32 @!p0 $0x88, s6;
	s7 =	simm.s32 @p2 $0x1082  }
0x22: {  	[simem:s7], [sflag:s8] =	dma.local @!p0 [hbm:s6], $0xF7A  }
0x23: {  	s9 =	sor.u32 $0xD0000000, s2;
	s6 =	simm.s32 $0x108;
	_ =	swait.ge @!p0 [sflag:s8], $0x0  }
0x24: {  	s3 =	sadd.s32 $0x88, s3;
	s6 =	simm.s32 @!p1 $0x1082;
	[sflag:s4] =	ssyncset.s32 $0xFFFFF086  }
0x25: {  	[simem:s6], [sflag:s4] =	dma.local [hbm:s3], $0xF7A  }
0x26: {  	[smem:$0x3F9A] =	sst s1;
	(tag) =	ssettag s2;
	_ =	strace s9  }
0x27: {  	s1 =	sld [smem:$0x3FAA]  }
0x28: {  	s2 =	sld [smem:$0x3FAB]  }
0x29: {  	s4 =	sld [smem:$0x3FAD]  }
0x2a: {  	p0 =	seq.s32 s5, $0x0;
	s5 =	sld [smem:$0x3FAE]  }
0x2b: {  	s6 =	sld [smem:$0x3FAF]  }
0x2c: {  	s7 =	sld [smem:$0x3FB0]  }
0x2d: {  	s3 =	simm.s32 $0x108;
	s8 =	sld [smem:$0x3FB1]  }
0x2e: {  	s3 =	simm.s32 @!p0 $0x1082;
	s9 =	sld [smem:$0x3FB2]  }
0x2f: {  	lr =	sadd.s32 s0, s3;
	s0 =	sld [smem:$0x3FA9]  }
0x30: {  	s3 =	sld [smem:$0x3FAC]  }
0x31: {  	[smem:$0x3FB5] =	sst s10  }
0x32: {  	s10 =	sld [smem:$0x3FB3];
	_ =	sdelay $0x3  }
0x33: {  	p0 =	seq.s32 s10, $0x1;
	s10 =	sld [smem:$0x3FB5];
	_ =	sdelay $0x3  }
0x34: {  	[smem:$0x3FB5] =	sst s10  }
0x35: {  	s10 =	sld [smem:$0x3FB4];
	_ =	sdelay $0x3  }
0x36: {  	p1 =	seq.s32 s10, $0x1;
	s10 =	sld [smem:$0x3FB5];
	_ =	sdelay $0x3  }
0x37: {  	[smem:$0x3FB5] =	sst s10  }
0x38: {  	s10 =	sld [smem:$0x3FB6]  }
0x39: {  	_ = 	snop;
	(pc) =	sbr.ind lr, $3  }
0x3a: {  	_ = 	snop  }
0x3b: {  	_ = 	snop  }
0x3c: {  	p2 =	seq.s32 s10, $0x1;
	s10 =	sld [smem:$0x3FB5]  }
0x3d: {  	_ =	shalt  }
0x3e: {  	_ =	shalt  }
0x3f: {  	_ =	shalt  }
0x40: {  	_ =	shalt  }
0x41: {  	_ =	shalt  }
0x42: {  	_ =	shalt  }
0x43: {  	_ =	shalt  }
0x44: {  	_ =	shalt  }
0x45: {  	_ =	shalt  }
0x46: {  	_ =	shalt  }
0x47: {  	_ =	shalt  }
0x48: {  	_ =	shalt  }
0x49: {  	_ =	shalt  }
0x4a: {  	_ =	shalt  }
0x4b: {  	_ =	shalt  }
0x4c: {  	_ =	shalt  }
0x4d: {  	_ =	shalt  }
0x4e: {  	_ =	shalt  }
0x4f: {  	_ =	shalt  }
0x50: {  	_ =	shalt  }
0x51: {  	_ =	shalt  }
0x52: {  	_ =	shalt  }
0x53: {  	_ =	shalt  }
0x54: {  	_ =	shalt  }
0x55: {  	_ =	shalt  }
0x56: {  	_ =	shalt  }
0x57: {  	_ =	shalt  }
0x58: {  	_ =	shalt  }
0x59: {  	_ =	shalt  }
0x5a: {  	_ =	shalt  }
0x5b: {  	_ =	shalt  }
0x5c: {  	_ =	shalt  }
0x5d: {  	_ =	shalt  }
0x5e: {  	_ =	shalt  }
0x5f: {  	_ =	shalt  }
0x60: {  	_ =	shalt  }
0x61: {  	_ =	shalt  }
0x62: {  	_ =	shalt  }
0x63: {  	_ =	shalt  }
0x64: {  	_ =	shalt  }
0x65: {  	_ =	shalt  }
0x66: {  	_ =	shalt  }
0x67: {  	_ =	shalt  }
0x68: {  	_ =	shalt  }
0x69: {  	_ =	shalt  }
0x6a: {  	_ =	shalt  }
0x6b: {  	_ =	shalt  }
0x6c: {  	_ =	shalt  }
0x6d: {  	_ =	shalt  }
0x6e: {  	_ =	shalt  }
0x6f: {  	_ =	shalt  }
0x70: {  	_ =	shalt  }
0x71: {  	_ =	shalt  }
0x72: {  	_ =	shalt  }
0x73: {  	_ =	shalt  }
0x74: {  	_ =	shalt  }
0x75: {  	_ =	shalt  }
0x76: {  	_ =	shalt  }
0x77: {  	_ =	shalt  }
0x78: {  	_ =	shalt  }
0x79: {  	_ =	shalt  }
0x7a: {  	_ =	shalt  }
0x7b: {  	_ =	shalt  }
0x7c: {  	_ =	shalt  }
0x7d: {  	_ =	shalt  }
0x7e: {  	_ =	shalt  }
0x7f: {  	_ =	shalt  }
0x80: {  	_ =	shalt  }
0x81: {  	_ =	shalt  }
0x82: {  	_ =	shalt  }
0x83: {  	_ =	shalt  }
0x84: {  	_ =	shalt  }
0x85: {  	_ =	shalt  }
0x86: {  	_ =	shalt  }
0x87: {  	_ =	shalt  }
.Lfunc_end0:
.L_simem_size_0:
called_computation.1_lowered:
.L_overlay_start_0:
0x88: {  	s2 =	sld [smem:$0x3FD9]  }
0x89: {  	s3 =	sld [smem:$0x3FFE];
	_ =	sdelay $0x1  }
0x8a: {  	s1 =	srdreg.scid  }
0x8b: {  	s0 =	sand.u32 $0x1, s1  }
0x8c: {  	s14 =	sshll.u32 s0, $0xA;
	s2 =	sadd.s32 s3, s2  }
0x8d: {  	s2 =	sadd.s32 s2, s14  }
0x8e: {  	[smem:$0x3FC1] =	sst s2  }
0x8f: {  	_ = 	snop  }
0x90: {  	s2 =	sld [smem:$0x3FD0];
	_ =	sdelay $0x2  }
0x91: {  	s15 =	simm.s32 $0xA;
	s4 =	simm.s32 $0x10  }
0x92: {  	[smem:s4], [sflag:s15] =	dma.local [hbm:s2], $0x1  }
0x93: {  	_ =	swait.eq [sflag:s15], $0x1  }
0x94: {  	[sflag:s15] =	ssyncset.done $0x0  }
0x95: {  	[sflag:s15] =	ssyncadd.s32 $0xFFFFFFFF  }
0x96: {  	s16 =	sld [smem:$0x12];
	(tm) =	ssettm $0x1  }
0x97: {  	s17 =	sld [smem:$0x3FFB];
	_ =	sdelay $0x3  }
0x98: {  	_ =	strace s17  }
0x99: {  	s3 =	sld [smem:$0x3FFC];
	_ =	sdelay $0x3  }
0x9a: {  	_ =	strace s3  }
0x9b: {  	s3 =	sld [smem:$0x3FFD];
	_ =	sdelay $0x3  }
0x9c: {  	_ =	strace s3  }
0x9d: {  	_ =	strace $0x8FFFFFFF  }
0x9e: {  	s18 =	sld [smem:$0x3FDB];
	_ =	sdelay $0x1  }
0x9f: {  	s19 =	simm.s32 $_scs_section_size  }
0xa0: {  	s5 =	simm.s32 $_size__tile_overlayer_lowered;
	s6 =	simm.s32 $_tile_overlayer_lowered  }
0xa1: {  	s22 =	simm.s32 $0x1BFF;
	s21 =	sshll.u32 s6, $0x1;
	s3 =	sadd.s32 s19, s18  }
0xa2: {  	s7 =	simm.s32 $0x0;
	s20 =	sshll.u32 s5, $0x1;
	s5 =	sadd.s32 s21, s3  }
0xa3: {  	[timem:s7], [sflag:s22] =	dma.local [hbm:s5], s20  }
0xa4: {  	_ =	swait.ge [sflag:s22], s20  }
0xa5: {  	s4 =	ssub.s32 $0x0, s20;
	[sflag:s22] =	ssyncset.done $0x0  }
0xa6: {  	[sflag:s22] =	ssyncadd.s32 s4;
	_ =	sdelay $0x1  }
0xa7: {  	s23 =	simm.s32 $0x1B8B  }
0xa8: {  	_ =	swait.ge [sflag:s23], $0x1  }
0xa9: {  	[sflag:s23] =	ssyncset.done $0x0  }
0xaa: {  	s25 =	simm.s32 $0x1B8E;
	s24 =	sld [smem:$0x3FFE];
	[sflag:s23] =	ssyncadd.s32 $0xFFFFFFFF  }
0xab: {  	s26 =	simm.s32 $execute0_lowered;
	[smem:$0x3FD2] =	sst s25  }
0xac: {  	s5 =	sshll.u32 s26, $0x1;
	_ =	strace $0x80000049;
	[dreg:$0x1] =	wrdreg $0xFFFFFFFF  }
0xad: {  	s28 =	simm.s32 $_size_execute0_lowered;
	s3 =	sadd.s32 s3, s5;
	[dreg:$0x0] =	wrdreg $0x0  }
0xae: {  	s5 =	sshll.u32 s28, $0x1;
	[dreg:$0x2] =	wrdreg s3  }
0xaf: {  	[dreg:$0x3] =	wrdreg s5  }
0xb0: {  	[dreg:$0x4] =	wrdreg $0xC0  }
0xb1: {  	_ =	task [dreg:s7], $0x5FFFF  }
0xb2: {  	[dreg:$0x1] =	wrdreg $0xFFFFFFFF  }
0xb3: {  	[dreg:$0x0] =	wrdreg $0x60  }
0xb4: {  	[dreg:$0x2] =	wrdreg s24  }
0xb5: {  	[dreg:$0x3] =	wrdreg s16  }
0xb6: {  	[dreg:$0x4] =	wrdreg $0x9  }
0xb7: {  	_ =	task.clear_ibuf [dreg:s7], $0x5FFFF;
	_ =	strace $0x90000049  }
0xb8: {  	s29 =	simm.s32 $0x9;
	_ =	strace $0x8000004B  }
0xb9: {  	_ =	swait.ge [sflag:s29], $0x1  }
0xba: {  	[sflag:s29] =	ssyncadd.s32 $0xFFFFFFFF  }
0xbb: {  	_ =	strace $0x9000004B  }
0xbc: {  	_ =	sfence  }
0xbd: {  	s30 =	sld [smem:$0x0];
	_ =	sdelay $0x2  }
0xbe: {  	s31 =	sshll.u32 s1, $0xD;
	s1 =	sshrl.u32 s1, $0x2  }
0xbf: {  	s3 =	sand.u32 $0x4000, s31;
	s1 =	sadd.s32 s1, s30  }
0xc0: {  	s0 =	sor.u32 s3, s0;
	s1 =	sshll.u32 s1, $0x11  }
0xc1: {  	s0 =	sor.u32 s1, s0  }
0xc2: {  	s0 =	sadd.s32 $0x8F2B, s0  }
0xc3: {  	[sflag:s0] =	ssyncadd.remote.s32 $0x1  }
0xc4: {  	_ =	sfence.sel $0xFFFF  }
0xc5: {  	[dreg:$0x0] =	wrdreg $0xFFFFFFFF;
	(pc) =	sbr.abs _section_cstart, $3  }
0xc6: {  	[dreg:$0x1] =	wrdreg $0xFFFFFFFF  }
0xc7: {  	_ =	task.clear_ibuf [dreg:s7], $0x2FFFF;
	_ =	strace $0x9FFFFFFF  }
0xc8: {  	(tm) =	ssettm $0x7FFFFFFF  }
0xc9: {  	_ =	shalt  }
tec
execute0_lowered:
.L_overlay_start_1:
0x0: {  	(tag) =	ssettag $0x1  }
0x1: {  	s0 =	rddreg [dreg:$0x0]  }
0x2: {  	s5 =	rddreg [dreg:$0x1];
	s3 =	srdreg.scid  }
0x3: {  	s2 =	simm.s32 $0x0;
	s1 =	stileid.u32;
	s26 =	simm.s32 $0x880  }
0x4: {  	s10 =	simm.s32 $0x1880;
	s11 =	simm.s32 $0x2080;
	s12 =	simm.s32 $0x2880  }
0x5: {  	s13 =	simm.s32 $0x3080;
	s14 =	simm.s32 $0x3880;
	s15 =	simm.s32 $0x4080  }
0x6: {  	s16 =	simm.s32 $0x4880;
	s17 =	simm.s32 $0x5080;
	s18 =	simm.s32 $0x5880  }
0x7: {  	s19 =	simm.s32 $0x6080;
	s20 =	simm.s32 $0x6880;
	s21 =	simm.s32 $0x7080  }
0x8: {  	s22 =	simm.s32 $0x7880;
	s28 =	simm.s32 $0xA080;
	s29 =	simm.s32 $0xA880  }
0x9: {  	s30 =	simm.s32 $0xB080;
	s31 =	simm.s32 $0xB880;
	s3 =	sand.u32 $0x1, s3  }
0xa: {  	[smem:$0x7FF] =	sst s2;
	s4 =	sshll.u32 s1, $0x4;
	s6 =	sshll.u32 s3, $0x3  }
0xb: {  	_ =	strace $0x8000004A;
	s23 =	ssub.s32 $0x2, s3;
	s3 =	sadd.s32 $0x1400, s0  }
0xc: {  	[dreg:$0x5] =	wrdreg s26;
	s26 =	simm.s32 $0x9880;
	s4 =	sor.u32 s6, s4  }
0xd: {  	s8 =	sshrl.u32 s23, $0x1;
	s7 =	sadd.s32 s4, s0;
	s9 =	smul.u32 $0x300, s4  }
0xe: {  	s6 =	ssub.s32 s23, s8;
	s4 =	sadd.s32 $0x1500, s0;
	s8 =	simm.s32 $0x80  }
0xf: {  	s23 =	simm.s32 $0x8080;
	s24 =	sadd.s32 $0x1200, s7;
	s6 =	smax.u32 s6, $0x1  }
0x10: {  	v2 =	vlaneseq.u32;
	s7 =	simm.s32 $0x2;
	[dreg:$0x3] =	wrdreg s24;
	s25 =	sadd.s32 s5, s9  }
0x11: {  	vm0 =	vmmov $0xffff;
	v1 =	vshrl.u32 v2, $0x3;
	s5 =	sadd.s32 $0x1600, s0;
	s9 =	simm.s32 $0x1080;
	s24 =	simm.s32 $0x8880  }
0x12: {  	v0 =	vand.u32 $0x7, v2;
	v2 =	vor.u32 $0x8, v2;
	v1 =	vmul.u32 $0x8, v1;
	s0 =	simm.s32 $0x1;
	[dreg:$0x4] =	wrdreg s25;
	s25 =	simm.s32 $0x9080  }
.LBB2_1:
0x13: {  	s1 =	rddreg [dreg:$0x3]  }
0x14: {  	[tilespmem:s2], [sflag:$0x2] =	stream.linear.gather [hbm4b:s1+s2], $0x40, $0x38;
	[tilespmem:$0xC080] =	vst v63  }
0x15: {  	_ =	swait.ge [sflag:s7], $0x40  }
0x16: {  	[sflag:s7] =	ssyncset.done $0x0  }
0x17: {  	[sflag:s7] =	ssyncadd.s32 $0xFFFFFFC0  }
0x18: {  	v3 =	vld [tilespmem:$0x0];
	_ =	sdelay $0x4  }
0x19: {  	v4 =	vshrl.u32 v3, $0x3  }
0x1a: {  	v4 =	vmul.u32 $0x30, v4  }
0x1b: {  	v3 =	vand.u32 $0x7, v3  }
0x1c: {  	v3 =	vor.u32 v3, v4  }
0x1d: {  	v4 =	vperm.xlane v3, v0;
	_ =	sdelay $0x1  }
0x1e: {  	v4 =	vadd.s32 v1, v4;
	_ =	sdelay $0x3  }
0x1f: {  	v3 =	vperm.xlane v3, v2  }
0x20: {  	[tilespmem:s8], [sflag:$0x1] =	stream.indirect_vreg.gather [hbm4b:s3+s2], $0x80, v4, vm0, $0xb8;
	[tilespmem:$0xC080] =	vst v63  }
0x21: {  	s1 =	rddreg [dreg:$0x5];
	v3 =	vadd.s32 v1, v3  }
0x22: {  	[tilespmem:s1], [sflag:$0x1] =	stream.indirect_vreg.gather [hbm4b:s4+s2], $0x80, v4, vm0, $0xb8;
	[tilespmem:$0xC080] =	vst v63  }
0x23: {  	_ = 	snop  }
0x24: {  	[tilespmem:s9], [sflag:$0x1] =	stream.indirect_vreg.gather [hbm4b:s5+s2], $0x80, v4, vm0, $0xb8;
	[tilespmem:$0xC080] =	vst v63  }
0x25: {  	_ = 	snop  }
0x26: {  	[tilespmem:s10], [sflag:$0x1] =	stream.indirect_vreg.gather [hbm4b:s3+s2], $0x80, v3, vm0, $0xb8;
	[tilespmem:$0xC080] =	vst v63  }
0x27: {  	_ = 	snop  }
0x28: {  	[tilespmem:s11], [sflag:$0x1] =	stream.indirect_vreg.gather [hbm4b:s4+s2], $0x80, v3, vm0, $0xb8;
	[tilespmem:$0xC080] =	vst v63  }
0x29: {  	_ = 	snop  }
0x2a: {  	[tilespmem:s12], [sflag:$0x1] =	stream.indirect_vreg.gather [hbm4b:s5+s2], $0x80, v3, vm0, $0xb8;
	[tilespmem:$0xC080] =	vst v63  }
0x2b: {  	v3 =	vld [tilespmem:$0x10];
	_ =	sdelay $0x4  }
0x2c: {  	v61 =	vshrl.u32 v3, $0x3  }
0x2d: {  	v4 =	vmul.u32 $0x30, v61  }
0x2e: {  	v3 =	vand.u32 $0x7, v3  }
0x2f: {  	v3 =	vor.u32 v3, v4  }
0x30: {  	v4 =	vperm.xlane v3, v0;
	_ =	sdelay $0x1  }
0x31: {  	v4 =	vadd.s32 v1, v4;
	_ =	sdelay $0x3  }
0x32: {  	v3 =	vperm.xlane v3, v2  }
0x33: {  	[tilespmem:s13], [sflag:$0x1] =	stream.indirect_vreg.gather [hbm4b:s3+s2], $0x80, v4, vm0, $0xb8;
	[tilespmem:$0xC080] =	vst v63  }
0x34: {  	v3 =	vadd.s32 v1, v3  }
0x35: {  	[tilespmem:s14], [sflag:$0x1] =	stream.indirect_vreg.gather [hbm4b:s4+s2], $0x80, v4, vm0, $0xb8;
	[tilespmem:$0xC080] =	vst v63  }
0x36: {  	_ = 	snop  }
0x37: {  	[tilespmem:s15], [sflag:$0x1] =	stream.indirect_vreg.gather [hbm4b:s5+s2], $0x80, v4, vm0, $0xb8;
	[tilespmem:$0xC080] =	vst v63  }
0x38: {  	_ = 	snop  }
0x39: {  	[tilespmem:s16], [sflag:$0x1] =	stream.indirect_vreg.gather [hbm4b:s3+s2], $0x80, v3, vm0, $0xb8;
	[tilespmem:$0xC080] =	vst v63  }
0x3a: {  	_ = 	snop  }
0x3b: {  	[tilespmem:s17], [sflag:$0x1] =	stream.indirect_vreg.gather [hbm4b:s4+s2], $0x80, v3, vm0, $0xb8;
	[tilespmem:$0xC080] =	vst v63  }
0x3c: {  	_ = 	snop  }
0x3d: {  	[tilespmem:s18], [sflag:$0x1] =	stream.indirect_vreg.gather [hbm4b:s5+s2], $0x80, v3, vm0, $0xb8;
	[tilespmem:$0xC080] =	vst v63  }
0x3e: {  	v3 =	vld [tilespmem:$0x20];
	_ =	sdelay $0x4  }
0x3f: {  	v62 =	vshrl.u32 v3, $0x3  }
0x40: {  	v4 =	vmul.u32 $0x30, v62  }
0x41: {  	v3 =	vand.u32 $0x7, v3  }
0x42: {  	v3 =	vor.u32 v3, v4  }
0x43: {  	v4 =	vperm.xlane v3, v0;
	_ =	sdelay $0x1  }
0x44: {  	v4 =	vadd.s32 v1, v4;
	_ =	sdelay $0x3  }
0x45: {  	v3 =	vperm.xlane v3, v2  }
0x46: {  	[tilespmem:s19], [sflag:$0x1] =	stream.indirect_vreg.gather [hbm4b:s3+s2], $0x80, v4, vm0, $0xb8;
	[tilespmem:$0xC080] =	vst v63  }
0x47: {  	v3 =	vadd.s32 v1, v3  }
0x48: {  	[tilespmem:s20], [sflag:$0x1] =	stream.indirect_vreg.gather [hbm4b:s4+s2], $0x80, v4, vm0, $0xb8;
	[tilespmem:$0xC080] =	vst v63  }
0x49: {  	_ = 	snop  }
0x4a: {  	[tilespmem:s21], [sflag:$0x1] =	stream.indirect_vreg.gather [hbm4b:s5+s2], $0x80, v4, vm0, $0xb8;
	[tilespmem:$0xC080] =	vst v63  }
0x4b: {  	_ = 	snop  }
0x4c: {  	[tilespmem:s22], [sflag:$0x1] =	stream.indirect_vreg.gather [hbm4b:s3+s2], $0x80, v3, vm0, $0xb8;
	[tilespmem:$0xC080] =	vst v63  }
0x4d: {  	_ = 	snop  }
0x4e: {  	[tilespmem:s23], [sflag:$0x1] =	stream.indirect_vreg.gather [hbm4b:s4+s2], $0x80, v3, vm0, $0xb8;
	[tilespmem:$0xC080] =	vst v63  }
0x4f: {  	_ = 	snop  }
0x50: {  	[tilespmem:s24], [sflag:$0x1] =	stream.indirect_vreg.gather [hbm4b:s5+s2], $0x80, v3, vm0, $0xb8;
	[tilespmem:$0xC080] =	vst v63  }
0x51: {  	v3 =	vld [tilespmem:$0x30];
	_ =	sdelay $0x4  }
0x52: {  	v63 =	vshrl.u32 v3, $0x3  }
0x53: {  	v4 =	vmul.u32 $0x30, v63  }
0x54: {  	v3 =	vand.u32 $0x7, v3  }
0x55: {  	v3 =	vor.u32 v3, v4  }
0x56: {  	v4 =	vperm.xlane v3, v0;
	_ =	sdelay $0x1  }
0x57: {  	v4 =	vadd.s32 v1, v4;
	_ =	sdelay $0x3  }
0x58: {  	v3 =	vperm.xlane v3, v2  }
0x59: {  	[tilespmem:s25], [sflag:$0x1] =	stream.indirect_vreg.gather [hbm4b:s3+s2], $0x80, v4, vm0, $0xb8;
	[tilespmem:$0xC080] =	vst v63  }
0x5a: {  	v3 =	vadd.s32 v1, v3  }
0x5b: {  	[tilespmem:s26], [sflag:$0x1] =	stream.indirect_vreg.gather [hbm4b:s4+s2], $0x80, v4, vm0, $0xb8;
	[tilespmem:$0xC080] =	vst v63  }
0x5c: {  	_ = 	snop  }
0x5d: {  	[tilespmem:s28], [sflag:$0x1] =	stream.indirect_vreg.gather [hbm4b:s5+s2], $0x80, v4, vm0, $0xb8;
	[tilespmem:$0xC080] =	vst v63  }
0x5e: {  	_ = 	snop  }
0x5f: {  	[tilespmem:s29], [sflag:$0x1] =	stream.indirect_vreg.gather [hbm4b:s3+s2], $0x80, v3, vm0, $0xb8;
	[tilespmem:$0xC080] =	vst v63  }
0x60: {  	_ = 	snop  }
0x61: {  	[tilespmem:s30], [sflag:$0x1] =	stream.indirect_vreg.gather [hbm4b:s4+s2], $0x80, v3, vm0, $0xb8;
	[tilespmem:$0xC080] =	vst v63  }
0x62: {  	_ = 	snop  }
0x63: {  	[tilespmem:s31], [sflag:$0x1] =	stream.indirect_vreg.gather [hbm4b:s5+s2], $0x80, v3, vm0, $0xb8;
	[tilespmem:$0xC080] =	vst v63  }
0x64: {  	_ =	swait.ge [sflag:s0], $0xC000  }
0x65: {  	p0 =	sne.s32 s6, $0x1;
	[sflag:s0] =	ssyncset.done $0x0  }
.Ltmp0:
0x66: {  	s1 =	rddreg [dreg:$0x4];
	[sflag:s0] =	ssyncadd.s32 $0xFFFF4000;
	(pc) =	sbr.rel @p0 .LBB2_1-.Ltmp0, $4  }
0x67: {  	[hbm4b:s1+s2] =	stream.linear.scatter [tilespmem:s8], [sflag:$0x2], $0xC000, $0x38;
	[tilespmem:$0xC080] =	vst v63  }
0x68: {  	_ =	swait.ge [sflag:s7], $0xC000  }
0x69: {  	[sflag:s7] =	ssyncset.done $0x0  }
0x6a: {  	s6 =	sadd.s32 $0xFFFFFFFF, s6;
	[sflag:s7] =	ssyncadd.s32 $0xFFFF4000  }
0x6b: {  	_ =	sfence.sel $0x180000  }
0x6c: {  	[bflag:$0x0] =	sbarrier.arrive $0xFFFF  }
0x6d: {  	_ =	strace $0x9000004A  }
0x6e: {  	s0 =	stileid.u32;
	[bflag:$0x2] =	sbarrier.arrive $0xFFFF  }
0x6f: {  	p0 =	sne.s32 s0, $0x0;
	s0 =	rddreg [dreg:$0x2]  }
0x70: {  	s0 =	sadd.s32 @!p0 $0x100000, s0  }
0x71: {  	[sflag:s0] =	ssyncadd.tile.s32 @!p0 $0x1;
	_ =	shalt  }
.Lfunc_end2:
_tile_overlayer_lowered:
.L_overlay_start_2:
0x72: {  	(tag) =	ssettag $0x2  }
0x73: {  	s0 =	rddreg [dreg:$0x0];
	s2 =	stileid.u32  }
0x74: {  	s1 =	rddreg [dreg:$0x1];
	p0 =	sne.s32 s2, $0x0  }
0x75: {  	s3 =	rddreg [dreg:$0x2];
	[bflag:$0x3] =	sbarrier.arrive $0xFFFF;
	s2 =	simm.s32 @!p0 $0x1C02  }
0x76: {  	[timem:s3], [sflag:s2] =	dma.local @!p0 [hbm:s0], s1  }
0x77: {  	s0 =	simm.s32 @!p0 $0x2  }
0x78: {  	_ =	swait.ge @!p0 [sflag:s0], s1  }
0x79: {  	s1 =	ssub.s32 @!p0 $0x0, s1;
	[sflag:s0] =	ssyncset.done @!p0 $0x0  }
0x7a: {  	[sflag:s0] =	ssyncadd.s32 @!p0 s1  }
0x7b: {  	[bflag:$0x3] =	sbarrier.arrive $0xFFFF  }
0x7c: {  	_ =	shalt  }

</sc_bundles>
